<compile_context>
chip_gen: v7x
topology: tpu7x:2x2x1
jax: 0.10.2.dev20260603
libtpu: 0.0.44.dev20260713+nightly
codegen_flags: <defaults>
</compile_context>

<pallas_src>
import functools

import jax
import jax.numpy as jnp
from jax import lax
from jax.experimental import pallas as pl
from jax.experimental.pallas import tpu as pltpu
from jax.experimental.pallas import tpu_sc as plsc

N = 10000
E = 320000
D_NODE = 128
D_EDGE = 16
HALF = 64
D_OUT = 128

NC = 2
NS = 16
NW = NC * NS
PER_W = E // NW
CH = 100
CH_P = 104
NCH = PER_W // CH
NH = NCH // 2
CHX = 250
CHX_P = 256
NCHX = PER_W // CHX
PW_P = NCHX * CHX_P
N_ACC = 10112
ROWS_PER_TILE = N_ACC // NS
DUMMY = N

_SC_MESH = plsc.VectorSubcoreMesh(core_axis_name="c", subcore_axis_name="s")


@functools.partial(
    pl.kernel,
    out_type=jax.ShapeDtypeStruct((NC, N_ACC, D_NODE), jnp.float32),
    mesh=_SC_MESH,
    scratch_types=[
        pltpu.VMEM_SHARED((N_ACC, D_NODE), jnp.float32),
        pltpu.VMEM((PW_P,), jnp.int32),
        pltpu.VMEM((CHX_P,), jnp.int32),
        pltpu.VMEM((CHX_P, D_NODE), jnp.float32),
        pltpu.SemaphoreType.DMA,
    ],
)
def _sc_segsum_x(x_h, src_h, dst_h, zsx_h, sx_o,
                 sx_sh, src_f, drow_v, rows_v, sem):
    c = lax.axis_index("c")
    s = lax.axis_index("s")
    wid = c * NS + s
    r0 = s * ROWS_PER_TILE

    pltpu.sync_copy(zsx_h, sx_sh.at[pl.ds(r0, ROWS_PER_TILE)])
    pltpu.sync_copy(src_h.at[wid], src_f)
    plsc.subcore_barrier()

    def step(j, carry):
        pltpu.sync_copy(dst_h.at[wid, j], drow_v)
        pltpu.async_copy(x_h.at[src_f.at[pl.ds(j * CHX_P, CHX_P)]],
                         rows_v, sem).wait()
        pltpu.sync_copy(rows_v, sx_sh.at[drow_v], add=True)
        return carry

    lax.fori_loop(0, NCHX, step, 0)
    plsc.subcore_barrier()

    pltpu.sync_copy(sx_sh.at[pl.ds(r0, ROWS_PER_TILE)],
                    sx_o.at[c, pl.ds(r0, ROWS_PER_TILE)])


@functools.partial(
    pl.kernel,
    out_type=jax.ShapeDtypeStruct((NC, N_ACC, D_NODE), jnp.float32),
    mesh=_SC_MESH,
    scratch_types=[
        pltpu.VMEM_SHARED((N_ACC, D_NODE), jnp.float32),
        pltpu.VMEM((CH_P,), jnp.int32),
        pltpu.VMEM((CH_P,), jnp.int32),
        pltpu.VMEM((CH_P, D_NODE), jnp.float32),
        pltpu.VMEM((CH_P, D_NODE), jnp.float32),
        pltpu.SemaphoreType.DMA,
        pltpu.SemaphoreType.DMA,
        pltpu.SemaphoreType.DMA,
        pltpu.SemaphoreType.DMA,
    ],
)
def _sc_segsum_ea(ea_h, dst_h, zse_h, se_o,
                  se_sh, dst_a, dst_b, ea_a, ea_b,
                  sem_a, sem_b, semd_a, semd_b):
    c = lax.axis_index("c")
    s = lax.axis_index("s")
    wid = c * NS + s
    r0 = s * ROWS_PER_TILE

    pltpu.sync_copy(zse_h, se_sh.at[pl.ds(r0, ROWS_PER_TILE)])
    plsc.subcore_barrier()

    def fetch(j, dbuf, dsem, buf, sem):
        pltpu.async_copy(dst_h.at[wid, j], dbuf, dsem)
        pltpu.async_copy(ea_h.at[wid, j], buf, sem)

    def fetch_wait(dbuf, dsem, buf, sem):
        pltpu.make_async_copy(dst_h.at[wid, 0], dbuf, dsem).wait()
        pltpu.make_async_copy(ea_h.at[wid, 0], buf, sem).wait()

    fetch(0, dst_a, semd_a, ea_a, sem_a)

    def step(k, carry):
        j0 = 2 * k
        j1 = j0 + 1
        fetch(j1, dst_b, semd_b, ea_b, sem_b)
        fetch_wait(dst_a, semd_a, ea_a, sem_a)
        pltpu.sync_copy(ea_a, se_sh.at[dst_a], add=True)

        @pl.when(k < NH - 1)
        def _():
            fetch(j0 + 2, dst_a, semd_a, ea_a, sem_a)

        fetch_wait(dst_b, semd_b, ea_b, sem_b)
        pltpu.sync_copy(ea_b, se_sh.at[dst_b], add=True)
        return carry

    lax.fori_loop(0, NH, step, 0)
    plsc.subcore_barrier()

    pltpu.sync_copy(se_sh.at[pl.ds(r0, ROWS_PER_TILE)],
                    se_o.at[c, pl.ds(r0, ROWS_PER_TILE)])


ROWS_B = 1000


def _tc_body(x_ref, sxp_ref, sep_ref,
             wn_ref, bn_ref, we_ref, be_ref, wr_ref, br_ref, z_ref):
    x = x_ref[...]
    sx = sxp_ref[0] + sxp_ref[1]
    sea = sep_ref[0] + sep_ref[1]
    se = sea[:, :D_EDGE]
    deg = sea[:, D_EDGE:D_EDGE + 1]
    inv = 1.0 / (deg + 1.0)
    h1 = jnp.dot((x + sx) * inv, wn_ref[...],
                 preferred_element_type=jnp.float32) + bn_ref[...]
    h2 = jnp.dot(se * inv, we_ref[...],
                 preferred_element_type=jnp.float32) + (deg * inv) * be_ref[...]
    h = jnp.concatenate([h1, h2], axis=1)
    z_ref[...] = jnp.dot(h, wr_ref[...],
                         preferred_element_type=jnp.float32) + br_ref[...]


def _tc_dense(x, sxp, sep, Wn, bn, We, be, Wr, br):
    grid = (N // ROWS_B,)
    full = lambda shape: pl.BlockSpec(shape, lambda i: (0,) * len(shape))
    return pl.pallas_call(
        _tc_body,
        grid=grid,
        in_specs=[
            pl.BlockSpec((ROWS_B, D_NODE), lambda i: (i, 0)),
            pl.BlockSpec((NC, ROWS_B, D_NODE), lambda i: (0, i, 0)),
            pl.BlockSpec((NC, ROWS_B, D_NODE), lambda i: (0, i, 0)),
            full((D_NODE, HALF)),
            full((1, HALF)),
            full((D_EDGE, HALF)),
            full((1, HALF)),
            full((2 * HALF, D_OUT)),
            full((1, D_OUT)),
        ],
        out_specs=pl.BlockSpec((ROWS_B, D_OUT), lambda i: (i, 0)),
        out_shape=jax.ShapeDtypeStruct((N, D_OUT), jnp.float32),
    )(x, sxp, sep, Wn, bn, We, be, Wr, br)


def kernel(x, edge_index, edge_attr, Wn, bn, We, be, Wr, br):
    src2 = jnp.pad(edge_index[0].reshape(NW, NCHX, CHX),
                   ((0, 0), (0, 0), (0, CHX_P - CHX))).reshape(NW, PW_P)
    dst4 = jnp.pad(edge_index[1].reshape(NW, NCHX, CHX),
                   ((0, 0), (0, 0), (0, CHX_P - CHX)),
                   constant_values=DUMMY)
    dst3 = jnp.pad(edge_index[1].reshape(NW, NCH, CH),
                   ((0, 0), (0, 0), (0, CH_P - CH)),
                   constant_values=DUMMY)
    ea_wide = jnp.concatenate(
        [edge_attr, jnp.ones((E, 1), jnp.float32),
         jnp.zeros((E, D_NODE - D_EDGE - 1), jnp.float32)], axis=1)
    ea4 = jnp.pad(ea_wide.reshape(NW, NCH, CH, D_NODE),
                  ((0, 0), (0, 0), (0, CH_P - CH), (0, 0)))
    zsx = jnp.zeros((ROWS_PER_TILE, D_NODE), jnp.float32)
    zse = jnp.zeros((ROWS_PER_TILE, D_NODE), jnp.float32)
    sxp = _sc_segsum_x(x, src2, dst4, zsx)
    sep = _sc_segsum_ea(ea4, dst3, zse)
    return _tc_dense(x, sxp, sep, Wn, bn.reshape(1, HALF), We,
                     be.reshape(1, HALF), Wr, br.reshape(1, D_OUT))

# --- scband reference (transcript-rebuilt; emitter-appended) ---
"""Pipeline reference for scband-mean-pool-73194832658764 (READ-ONLY COPY).

The authoritative reference and input builder live on the scoring server;
editing this copy changes nothing except your own understanding.
"""

import jax, jax.numpy as jnp
import numpy as np

N = 10000
E = 320000
D_NODE = 128
D_EDGE = 16
D_MSG = 128
D_OUT = 128


def setup_inputs(seed: int = 0) -> dict:
    key = jax.random.key(seed)
    ks = jax.random.split(key, 10)
    x = jax.random.normal(ks[0], (N, D_NODE), dtype=jnp.float32)
    edge_index = jax.random.randint(ks[1], (2, E), 0, N, dtype=jnp.int32)
    edge_attr = jax.random.normal(ks[2], (E, D_EDGE), dtype=jnp.float32)
    half = D_MSG // 2
    Wn = jax.random.normal(ks[3], (D_NODE, half), dtype=jnp.float32) * (1.0 / np.sqrt(D_NODE))
    bn = jax.random.normal(ks[4], (half,), dtype=jnp.float32) * 0.01
    We = jax.random.normal(ks[5], (D_EDGE, half), dtype=jnp.float32) * (1.0 / np.sqrt(D_EDGE))
    be = jax.random.normal(ks[6], (half,), dtype=jnp.float32) * 0.01
    Wr = jax.random.normal(ks[7], (D_MSG, D_OUT), dtype=jnp.float32) * (1.0 / np.sqrt(D_MSG))
    br = jax.random.normal(ks[8], (D_OUT,), dtype=jnp.float32) * 0.01
    return {"x": x, "edge_index": edge_index, "edge_attr": edge_attr,
            "Wn": Wn, "bn": bn, "We": We, "be": be, "Wr": Wr, "br": br}


def reference(x, edge_index, edge_attr, Wn, bn, We, be, Wr, br):
    # MeanPool message passing (DGL update_all translated to explicit edge_index form).
    src = edge_index[0]
    dst = edge_index[1]
    n_nodes = x.shape[0]
    half = Wn.shape[1]

    # mp_func: message per edge = cat(node_layer(x[src]), edge_layer(edge_attr))
    node_part = jnp.take(x, src, axis=0) @ Wn + bn          # [E, half]
    edge_part = edge_attr @ We + be                          # [E, half]
    msgs = jnp.concatenate([node_part, edge_part], axis=-1)  # [E, D_MSG]

    # reduce_func: local state = cat(node_layer(x), zeros)
    local_node = x @ Wn + bn                                 # [N, half]
    local_state = jnp.concatenate(
        [local_node, jnp.zeros((n_nodes, half), dtype=x.dtype)], axis=-1)  # [N, D_MSG]

    # mean over (local_state, mailbox messages), then reduce_layer.
    # reduce_layer is affine, so mean(reduce_layer(states)) == reduce_layer(mean(states)).
    msg_sum = jax.ops.segment_sum(msgs, dst, num_segments=n_nodes)          # [N, D_MSG]
    deg = jax.ops.segment_sum(jnp.ones((dst.shape[0],), dtype=x.dtype), dst,
                              num_segments=n_nodes)                          # [N]
    mean_state = (local_state + msg_sum) / (deg + 1.0)[:, None]
    z = mean_state @ Wr + br                                  # [N, D_OUT]
    return z

if __name__ == "__main__":
    import jax
    _d = setup_inputs()
    print(jax.jit(kernel)(*tuple(_d.values())))

</pallas_src>

<mosaic_0001>
#map = affine_map<(d0, d1) -> (0, 0, 0, 0)>
#map1 = affine_map<(d0, d1) -> (0, 0, 0)>
#map2 = affine_map<(d0, d1) -> (0, 0)>
module attributes {stable_mosaic.version = 14 : i64} {
  func.func @_sc_segsum_ea(%arg0: i32, %arg1: i32, %arg2: memref<32x100x104x128xf32, #tpu.memory_space<hbm>>, %arg3: memref<32x100x104xi32, #tpu.memory_space<hbm>>, %arg4: memref<632x128xf32, #tpu.memory_space<hbm>>, %arg5: memref<2x10112x128xf32, #tpu.memory_space<hbm>>, %arg6: memref<10112x128xf32, #tpu.memory_space<vmem_shared>>, %arg7: memref<104xi32, #tpu.memory_space<vmem>>, %arg8: memref<104xi32, #tpu.memory_space<vmem>>, %arg9: memref<104x128xf32, #tpu.memory_space<vmem>>, %arg10: memref<104x128xf32, #tpu.memory_space<vmem>>, %arg11: memref<!tpu.dma_semaphore, #tpu.memory_space<semaphore_mem>>, %arg12: memref<!tpu.dma_semaphore, #tpu.memory_space<semaphore_mem>>, %arg13: memref<!tpu.dma_semaphore, #tpu.memory_space<semaphore_mem>>, %arg14: memref<!tpu.dma_semaphore, #tpu.memory_space<semaphore_mem>>) attributes {dimension_semantics = [#tpu.dimension_semantics<core_parallel>, #tpu.dimension_semantics<subcore_parallel>], iteration_bounds = array<i64: 2, 16>, scalar_prefetch = 0 : i64, scratch_operands = 9 : i64, tpu.core_type = #tpu.core_type<sc_vector_subcore>, window_params = [{transform_indices = #map}, {transform_indices = #map1}, {transform_indices = #map2}, {transform_indices = #map1}]} {
    %mul3A = arith.constant 16 : i32
    %mul3A_0 = arith.muli %arg0, %mul3A : i32
    %add3A = arith.addi %mul3A_0, %arg1 : i32
    %mul3A_1 = arith.constant 632 : i32
    %mul3A_2 = arith.muli %arg1, %mul3A_1 : i32
    "tpu.region"() ({
      %run_scoped3A = tpu.sem_alloc : memref<!tpu.dma_semaphore, #tpu.memory_space<semaphore_mem>>
      %dma_start3A_24 = arith.constant 0 : i32
      %dma_start3A_25 = tpu.memref_slice %arg6[%mul3A_2, %dma_start3A_24] : memref<10112x128xf32, #tpu.memory_space<vmem_shared>> -> memref<632x128xf32, #tpu.memory_space<vmem_shared>>
      tpu.enqueue_dma source(%arg4 : memref<632x128xf32, #tpu.memory_space<hbm>>) target(%dma_start3A_25 : memref<632x128xf32, #tpu.memory_space<vmem_shared>>) target_semaphore(%run_scoped3A : memref<!tpu.dma_semaphore, #tpu.memory_space<semaphore_mem>>)
      %dma_wait3A = arith.constant 0 : i32
      %dma_wait3A_26 = tpu.memref_slice %arg6[%mul3A_2, %dma_wait3A] : memref<10112x128xf32, #tpu.memory_space<vmem_shared>> -> memref<632x128xf32, #tpu.memory_space<vmem_shared>>
      tpu.wait_dma2 semaphore(%run_scoped3A : memref<!tpu.dma_semaphore, #tpu.memory_space<semaphore_mem>>) src(%arg4 : memref<632x128xf32, #tpu.memory_space<hbm>>) dst(%dma_wait3A_26 : memref<632x128xf32, #tpu.memory_space<vmem_shared>>)
      tpu.yield
    }) : () -> ()
    %barrier3A = arith.constant 0 : index
    tpu.barrier barrier_id(%barrier3A)
    %dma_start3A = arith.constant 0 : i32
    %dma_start3A_3 = arith.constant 0 : i32
    %dma_start3A_4 = tpu.memref_slice %arg3[%add3A, %dma_start3A, %dma_start3A_3] : memref<32x100x104xi32, #tpu.memory_space<hbm>> -> memref<1x1x104xi32, #tpu.memory_space<hbm>>
    %dma_start3A_5 = tpu.memref_squeeze %dma_start3A_4 : memref<1x1x104xi32, #tpu.memory_space<hbm>> -> memref<104xi32, #tpu.memory_space<hbm>>
    %dma_start3A_6 = arith.constant 0 : i32
    %dma_start3A_7 = tpu.memref_slice %arg3[%add3A, %dma_start3A, %dma_start3A_6] : memref<32x100x104xi32, #tpu.memory_space<hbm>> -> memref<1x1x104xi32, #tpu.memory_space<hbm>>
    %dma_start3A_8 = tpu.memref_squeeze %dma_start3A_7 : memref<1x1x104xi32, #tpu.memory_space<hbm>> -> memref<104xi32, #tpu.memory_space<hbm>>
    tpu.enqueue_dma source(%dma_start3A_8 : memref<104xi32, #tpu.memory_space<hbm>>) target(%arg7 : memref<104xi32, #tpu.memory_space<vmem>>) target_semaphore(%arg13 : memref<!tpu.dma_semaphore, #tpu.memory_space<semaphore_mem>>)
    %dma_start3A_9 = arith.constant 0 : i32
    %dma_start3A_10 = arith.constant 0 : i32
    %dma_start3A_11 = arith.constant 0 : i32
    %dma_start3A_12 = tpu.memref_slice %arg2[%add3A, %dma_start3A_9, %dma_start3A_10, %dma_start3A_11] : memref<32x100x104x128xf32, #tpu.memory_space<hbm>> -> memref<1x1x104x128xf32, #tpu.memory_space<hbm>>
    %dma_start3A_13 = tpu.memref_squeeze %dma_start3A_12 : memref<1x1x104x128xf32, #tpu.memory_space<hbm>> -> memref<104x128xf32, #tpu.memory_space<hbm>>
    %dma_start3A_14 = arith.constant 0 : i32
    %dma_start3A_15 = arith.constant 0 : i32
    %dma_start3A_16 = tpu.memref_slice %arg2[%add3A, %dma_start3A_9, %dma_start3A_14, %dma_start3A_15] : memref<32x100x104x128xf32, #tpu.memory_space<hbm>> -> memref<1x1x104x128xf32, #tpu.memory_space<hbm>>
    %dma_start3A_17 = tpu.memref_squeeze %dma_start3A_16 : memref<1x1x104x128xf32, #tpu.memory_space<hbm>> -> memref<104x128xf32, #tpu.memory_space<hbm>>
    tpu.enqueue_dma source(%dma_start3A_17 : memref<104x128xf32, #tpu.memory_space<hbm>>) target(%arg9 : memref<104x128xf32, #tpu.memory_space<vmem>>) target_semaphore(%arg11 : memref<!tpu.dma_semaphore, #tpu.memory_space<semaphore_mem>>)
    %scan3A = arith.constant 0 : i32
    %scan3A_18 = arith.constant 0 : i32
    %scan3A_19 = arith.constant 50 : i32
    %scan3A_20 = arith.addi %scan3A_18, %scan3A_19 : i32
    %scan3A_21 = arith.constant 1 : i32
    scf.for %scan3A_24 = %scan3A_18 to %scan3A_20 step %scan3A_21  : i32 {
      %mul3A_25 = arith.constant 2 : i32
      %mul3A_26 = arith.muli %mul3A_25, %scan3A_24 : i32
      %add3A_27 = arith.constant 1 : i32
      %add3A_28 = arith.addi %mul3A_26, %add3A_27 : i32
      %dma_start3A_29 = arith.constant 0 : i32
      %dma_start3A_30 = tpu.memref_slice %arg3[%add3A, %add3A_28, %dma_start3A_29] : memref<32x100x104xi32, #tpu.memory_space<hbm>> -> memref<1x1x104xi32, #tpu.memory_space<hbm>>
      %dma_start3A_31 = tpu.memref_squeeze %dma_start3A_30 : memref<1x1x104xi32, #tpu.memory_space<hbm>> -> memref<104xi32, #tpu.memory_space<hbm>>
      %dma_start3A_32 = arith.constant 0 : i32
      %dma_start3A_33 = tpu.memref_slice %arg3[%add3A, %add3A_28, %dma_start3A_32] : memref<32x100x104xi32, #tpu.memory_space<hbm>> -> memref<1x1x104xi32, #tpu.memory_space<hbm>>
      %dma_start3A_34 = tpu.memref_squeeze %dma_start3A_33 : memref<1x1x104xi32, #tpu.memory_space<hbm>> -> memref<104xi32, #tpu.memory_space<hbm>>
      tpu.enqueue_dma source(%dma_start3A_34 : memref<104xi32, #tpu.memory_space<hbm>>) target(%arg8 : memref<104xi32, #tpu.memory_space<vmem>>) target_semaphore(%arg14 : memref<!tpu.dma_semaphore, #tpu.memory_space<semaphore_mem>>)
      %dma_start3A_35 = arith.constant 0 : i32
      %dma_start3A_36 = arith.constant 0 : i32
      %dma_start3A_37 = tpu.memref_slice %arg2[%add3A, %add3A_28, %dma_start3A_35, %dma_start3A_36] : memref<32x100x104x128xf32, #tpu.memory_space<hbm>> -> memref<1x1x104x128xf32, #tpu.memory_space<hbm>>
      %dma_start3A_38 = tpu.memref_squeeze %dma_start3A_37 : memref<1x1x104x128xf32, #tpu.memory_space<hbm>> -> memref<104x128xf32, #tpu.memory_space<hbm>>
      %dma_start3A_39 = arith.constant 0 : i32
      %dma_start3A_40 = arith.constant 0 : i32
      %dma_start3A_41 = tpu.memref_slice %arg2[%add3A, %add3A_28, %dma_start3A_39, %dma_start3A_40] : memref<32x100x104x128xf32, #tpu.memory_space<hbm>> -> memref<1x1x104x128xf32, #tpu.memory_space<hbm>>
      %dma_start3A_42 = tpu.memref_squeeze %dma_start3A_41 : memref<1x1x104x128xf32, #tpu.memory_space<hbm>> -> memref<104x128xf32, #tpu.memory_space<hbm>>
      tpu.enqueue_dma source(%dma_start3A_42 : memref<104x128xf32, #tpu.memory_space<hbm>>) target(%arg10 : memref<104x128xf32, #tpu.memory_space<vmem>>) target_semaphore(%arg12 : memref<!tpu.dma_semaphore, #tpu.memory_space<semaphore_mem>>)
      %dma_wait3A = arith.constant 0 : i32
      %dma_wait3A_43 = arith.constant 0 : i32
      %dma_wait3A_44 = tpu.memref_slice %arg3[%add3A, %dma_wait3A, %dma_wait3A_43] : memref<32x100x104xi32, #tpu.memory_space<hbm>> -> memref<1x1x104xi32, #tpu.memory_space<hbm>>
      %dma_wait3A_45 = tpu.memref_squeeze %dma_wait3A_44 : memref<1x1x104xi32, #tpu.memory_space<hbm>> -> memref<104xi32, #tpu.memory_space<hbm>>
      %dma_wait3A_46 = arith.constant 0 : i32
      %dma_wait3A_47 = tpu.memref_slice %arg3[%add3A, %dma_wait3A, %dma_wait3A_46] : memref<32x100x104xi32, #tpu.memory_space<hbm>> -> memref<1x1x104xi32, #tpu.memory_space<hbm>>
      %dma_wait3A_48 = tpu.memref_squeeze %dma_wait3A_47 : memref<1x1x104xi32, #tpu.memory_space<hbm>> -> memref<104xi32, #tpu.memory_space<hbm>>
      tpu.wait_dma2 semaphore(%arg13 : memref<!tpu.dma_semaphore, #tpu.memory_space<semaphore_mem>>) src(%dma_wait3A_48 : memref<104xi32, #tpu.memory_space<hbm>>) dst(%arg7 : memref<104xi32, #tpu.memory_space<vmem>>)
      %dma_wait3A_49 = arith.constant 0 : i32
      %dma_wait3A_50 = arith.constant 0 : i32
      %dma_wait3A_51 = arith.constant 0 : i32
      %dma_wait3A_52 = tpu.memref_slice %arg2[%add3A, %dma_wait3A_49, %dma_wait3A_50, %dma_wait3A_51] : memref<32x100x104x128xf32, #tpu.memory_space<hbm>> -> memref<1x1x104x128xf32, #tpu.memory_space<hbm>>
      %dma_wait3A_53 = tpu.memref_squeeze %dma_wait3A_52 : memref<1x1x104x128xf32, #tpu.memory_space<hbm>> -> memref<104x128xf32, #tpu.memory_space<hbm>>
      %dma_wait3A_54 = arith.constant 0 : i32
      %dma_wait3A_55 = arith.constant 0 : i32
      %dma_wait3A_56 = tpu.memref_slice %arg2[%add3A, %dma_wait3A_49, %dma_wait3A_54, %dma_wait3A_55] : memref<32x100x104x128xf32, #tpu.memory_space<hbm>> -> memref<1x1x104x128xf32, #tpu.memory_space<hbm>>
      %dma_wait3A_57 = tpu.memref_squeeze %dma_wait3A_56 : memref<1x1x104x128xf32, #tpu.memory_space<hbm>> -> memref<104x128xf32, #tpu.memory_space<hbm>>
      tpu.wait_dma2 semaphore(%arg11 : memref<!tpu.dma_semaphore, #tpu.memory_space<semaphore_mem>>) src(%dma_wait3A_57 : memref<104x128xf32, #tpu.memory_space<hbm>>) dst(%arg9 : memref<104x128xf32, #tpu.memory_space<vmem>>)
      "tpu.region"() ({
        %run_scoped3A = tpu.sem_alloc : memref<!tpu.dma_semaphore, #tpu.memory_space<semaphore_mem>>
        %dma_start3A_76 = arith.constant 0 : i32
        %dma_start3A_77 = arith.constant 0 : i32
        %dma_start3A_78 = tpu.memref_slice %arg6[%dma_start3A_76, %dma_start3A_77] : memref<10112x128xf32, #tpu.memory_space<vmem_shared>> -> memref<10112x128xf32, #tpu.memory_space<vmem_shared>>
        tpu.enqueue_indirect_dma source(%arg9 : memref<104x128xf32, #tpu.memory_space<vmem>>) target(%dma_start3A_78 : memref<10112x128xf32, #tpu.memory_space<vmem_shared>>) offsets(%arg7 : memref<104xi32, #tpu.memory_space<vmem>>) semaphore(%run_scoped3A : memref<!tpu.dma_semaphore, #tpu.memory_space<semaphore_mem>>) {add = true}
        %dma_wait3A_79 = arith.constant 0 : i32
        %dma_wait3A_80 = arith.constant 0 : i32
        %dma_wait3A_81 = tpu.memref_slice %arg6[%dma_wait3A_79, %dma_wait3A_80] : memref<10112x128xf32, #tpu.memory_space<vmem_shared>> -> memref<10112x128xf32, #tpu.memory_space<vmem_shared>>
        tpu.wait_indirect_dma semaphore(%run_scoped3A : memref<!tpu.dma_semaphore, #tpu.memory_space<semaphore_mem>>) src(%arg9 : memref<104x128xf32, #tpu.memory_space<vmem>>) dst(%dma_wait3A_81 : memref<10112x128xf32, #tpu.memory_space<vmem_shared>>)
        tpu.yield
      }) : () -> ()
      %lt3A = arith.constant 49 : i32
      %lt3A_58 = arith.cmpi slt, %scan3A_24, %lt3A : i32
      %convert_element_type3A = arith.extui %lt3A_58 : i1 to i32
      %cond3A = arith.constant 0 : i32
      %cond3A_59 = arith.cmpi ne, %convert_element_type3A, %cond3A : i32
      scf.if %cond3A_59 {
        %add3A_76 = arith.constant 2 : i32
        %add3A_77 = arith.addi %mul3A_26, %add3A_76 : i32
        %dma_start3A_78 = arith.constant 0 : i32
        %dma_start3A_79 = tpu.memref_slice %arg3[%add3A, %add3A_77, %dma_start3A_78] : memref<32x100x104xi32, #tpu.memory_space<hbm>> -> memref<1x1x104xi32, #tpu.memory_space<hbm>>
        %dma_start3A_80 = tpu.memref_squeeze %dma_start3A_79 : memref<1x1x104xi32, #tpu.memory_space<hbm>> -> memref<104xi32, #tpu.memory_space<hbm>>
        %dma_start3A_81 = arith.constant 0 : i32
        %dma_start3A_82 = tpu.memref_slice %arg3[%add3A, %add3A_77, %dma_start3A_81] : memref<32x100x104xi32, #tpu.memory_space<hbm>> -> memref<1x1x104xi32, #tpu.memory_space<hbm>>
        %dma_start3A_83 = tpu.memref_squeeze %dma_start3A_82 : memref<1x1x104xi32, #tpu.memory_space<hbm>> -> memref<104xi32, #tpu.memory_space<hbm>>
        tpu.enqueue_dma source(%dma_start3A_83 : memref<104xi32, #tpu.memory_space<hbm>>) target(%arg7 : memref<104xi32, #tpu.memory_space<vmem>>) target_semaphore(%arg13 : memref<!tpu.dma_semaphore, #tpu.memory_space<semaphore_mem>>)
        %dma_start3A_84 = arith.constant 0 : i32
        %dma_start3A_85 = arith.constant 0 : i32
        %dma_start3A_86 = tpu.memref_slice %arg2[%add3A, %add3A_77, %dma_start3A_84, %dma_start3A_85] : memref<32x100x104x128xf32, #tpu.memory_space<hbm>> -> memref<1x1x104x128xf32, #tpu.memory_space<hbm>>
        %dma_start3A_87 = tpu.memref_squeeze %dma_start3A_86 : memref<1x1x104x128xf32, #tpu.memory_space<hbm>> -> memref<104x128xf32, #tpu.memory_space<hbm>>
        %dma_start3A_88 = arith.constant 0 : i32
        %dma_start3A_89 = arith.constant 0 : i32
        %dma_start3A_90 = tpu.memref_slice %arg2[%add3A, %add3A_77, %dma_start3A_88, %dma_start3A_89] : memref<32x100x104x128xf32, #tpu.memory_space<hbm>> -> memref<1x1x104x128xf32, #tpu.memory_space<hbm>>
        %dma_start3A_91 = tpu.memref_squeeze %dma_start3A_90 : memref<1x1x104x128xf32, #tpu.memory_space<hbm>> -> memref<104x128xf32, #tpu.memory_space<hbm>>
        tpu.enqueue_dma source(%dma_start3A_91 : memref<104x128xf32, #tpu.memory_space<hbm>>) target(%arg9 : memref<104x128xf32, #tpu.memory_space<vmem>>) target_semaphore(%arg11 : memref<!tpu.dma_semaphore, #tpu.memory_space<semaphore_mem>>)
      } else {
      }
      %dma_wait3A_60 = arith.constant 0 : i32
      %dma_wait3A_61 = arith.constant 0 : i32
      %dma_wait3A_62 = tpu.memref_slice %arg3[%add3A, %dma_wait3A_60, %dma_wait3A_61] : memref<32x100x104xi32, #tpu.memory_space<hbm>> -> memref<1x1x104xi32, #tpu.memory_space<hbm>>
      %dma_wait3A_63 = tpu.memref_squeeze %dma_wait3A_62 : memref<1x1x104xi32, #tpu.memory_space<hbm>> -> memref<104xi32, #tpu.memory_space<hbm>>
      %dma_wait3A_64 = arith.constant 0 : i32
      %dma_wait3A_65 = tpu.memref_slice %arg3[%add3A, %dma_wait3A_60, %dma_wait3A_64] : memref<32x100x104xi32, #tpu.memory_space<hbm>> -> memref<1x1x104xi32, #tpu.memory_space<hbm>>
      %dma_wait3A_66 = tpu.memref_squeeze %dma_wait3A_65 : memref<1x1x104xi32, #tpu.memory_space<hbm>> -> memref<104xi32, #tpu.memory_space<hbm>>
      tpu.wait_dma2 semaphore(%arg14 : memref<!tpu.dma_semaphore, #tpu.memory_space<semaphore_mem>>) src(%dma_wait3A_66 : memref<104xi32, #tpu.memory_space<hbm>>) dst(%arg8 : memref<104xi32, #tpu.memory_space<vmem>>)
      %dma_wait3A_67 = arith.constant 0 : i32
      %dma_wait3A_68 = arith.constant 0 : i32
      %dma_wait3A_69 = arith.constant 0 : i32
      %dma_wait3A_70 = tpu.memref_slice %arg2[%add3A, %dma_wait3A_67, %dma_wait3A_68, %dma_wait3A_69] : memref<32x100x104x128xf32, #tpu.memory_space<hbm>> -> memref<1x1x104x128xf32, #tpu.memory_space<hbm>>
      %dma_wait3A_71 = tpu.memref_squeeze %dma_wait3A_70 : memref<1x1x104x128xf32, #tpu.memory_space<hbm>> -> memref<104x128xf32, #tpu.memory_space<hbm>>
      %dma_wait3A_72 = arith.constant 0 : i32
      %dma_wait3A_73 = arith.constant 0 : i32
      %dma_wait3A_74 = tpu.memref_slice %arg2[%add3A, %dma_wait3A_67, %dma_wait3A_72, %dma_wait3A_73] : memref<32x100x104x128xf32, #tpu.memory_space<hbm>> -> memref<1x1x104x128xf32, #tpu.memory_space<hbm>>
      %dma_wait3A_75 = tpu.memref_squeeze %dma_wait3A_74 : memref<1x1x104x128xf32, #tpu.memory_space<hbm>> -> memref<104x128xf32, #tpu.memory_space<hbm>>
      tpu.wait_dma2 semaphore(%arg12 : memref<!tpu.dma_semaphore, #tpu.memory_space<semaphore_mem>>) src(%dma_wait3A_75 : memref<104x128xf32, #tpu.memory_space<hbm>>) dst(%arg10 : memref<104x128xf32, #tpu.memory_space<vmem>>)
      "tpu.region"() ({
        %run_scoped3A = tpu.sem_alloc : memref<!tpu.dma_semaphore, #tpu.memory_space<semaphore_mem>>
        %dma_start3A_76 = arith.constant 0 : i32
        %dma_start3A_77 = arith.constant 0 : i32
        %dma_start3A_78 = tpu.memref_slice %arg6[%dma_start3A_76, %dma_start3A_77] : memref<10112x128xf32, #tpu.memory_space<vmem_shared>> -> memref<10112x128xf32, #tpu.memory_space<vmem_shared>>
        tpu.enqueue_indirect_dma source(%arg10 : memref<104x128xf32, #tpu.memory_space<vmem>>) target(%dma_start3A_78 : memref<10112x128xf32, #tpu.memory_space<vmem_shared>>) offsets(%arg8 : memref<104xi32, #tpu.memory_space<vmem>>) semaphore(%run_scoped3A : memref<!tpu.dma_semaphore, #tpu.memory_space<semaphore_mem>>) {add = true}
        %dma_wait3A_79 = arith.constant 0 : i32
        %dma_wait3A_80 = arith.constant 0 : i32
        %dma_wait3A_81 = tpu.memref_slice %arg6[%dma_wait3A_79, %dma_wait3A_80] : memref<10112x128xf32, #tpu.memory_space<vmem_shared>> -> memref<10112x128xf32, #tpu.memory_space<vmem_shared>>
        tpu.wait_indirect_dma semaphore(%run_scoped3A : memref<!tpu.dma_semaphore, #tpu.memory_space<semaphore_mem>>) src(%arg10 : memref<104x128xf32, #tpu.memory_space<vmem>>) dst(%dma_wait3A_81 : memref<10112x128xf32, #tpu.memory_space<vmem_shared>>)
        tpu.yield
      }) : () -> ()
    }
    %scan3A_22 = arith.constant 50 : i32
    %barrier3A_23 = arith.constant 0 : index
    tpu.barrier barrier_id(%barrier3A_23)
    "tpu.region"() ({
      %run_scoped3A = tpu.sem_alloc : memref<!tpu.dma_semaphore, #tpu.memory_space<semaphore_mem>>
      %dma_start3A_24 = arith.constant 0 : i32
      %dma_start3A_25 = tpu.memref_slice %arg5[%arg0, %mul3A_2, %dma_start3A_24] : memref<2x10112x128xf32, #tpu.memory_space<hbm>> -> memref<1x632x128xf32, #tpu.memory_space<hbm>>
      %dma_start3A_26 = tpu.memref_squeeze %dma_start3A_25 : memref<1x632x128xf32, #tpu.memory_space<hbm>> -> memref<632x128xf32, #tpu.memory_space<hbm>>
      %dma_start3A_27 = arith.constant 0 : i32
      %dma_start3A_28 = tpu.memref_slice %arg6[%mul3A_2, %dma_start3A_27] : memref<10112x128xf32, #tpu.memory_space<vmem_shared>> -> memref<632x128xf32, #tpu.memory_space<vmem_shared>>
      tpu.enqueue_dma source(%dma_start3A_28 : memref<632x128xf32, #tpu.memory_space<vmem_shared>>) target(%dma_start3A_26 : memref<632x128xf32, #tpu.memory_space<hbm>>) target_semaphore(%run_scoped3A : memref<!tpu.dma_semaphore, #tpu.memory_space<semaphore_mem>>)
      %dma_wait3A = arith.constant 0 : i32
      %dma_wait3A_29 = tpu.memref_slice %arg5[%arg0, %mul3A_2, %dma_wait3A] : memref<2x10112x128xf32, #tpu.memory_space<hbm>> -> memref<1x632x128xf32, #tpu.memory_space<hbm>>
      %dma_wait3A_30 = tpu.memref_squeeze %dma_wait3A_29 : memref<1x632x128xf32, #tpu.memory_space<hbm>> -> memref<632x128xf32, #tpu.memory_space<hbm>>
      %dma_wait3A_31 = arith.constant 0 : i32
      %dma_wait3A_32 = tpu.memref_slice %arg6[%mul3A_2, %dma_wait3A_31] : memref<10112x128xf32, #tpu.memory_space<vmem_shared>> -> memref<632x128xf32, #tpu.memory_space<vmem_shared>>
      tpu.wait_dma2 semaphore(%run_scoped3A : memref<!tpu.dma_semaphore, #tpu.memory_space<semaphore_mem>>) src(%dma_wait3A_32 : memref<632x128xf32, #tpu.memory_space<vmem_shared>>) dst(%dma_wait3A_30 : memref<632x128xf32, #tpu.memory_space<hbm>>)
      tpu.yield
    }) : () -> ()
    return
  }
}

#map = affine_map<(d0, d1) -> (0, 0)>
#map1 = affine_map<(d0, d1) -> (0, 0, 0)>
module attributes {stable_mosaic.version = 14 : i64} {
  func.func @_sc_segsum_x(%arg0: i32, %arg1: i32, %arg2: memref<10000x128xf32, #tpu.memory_space<hbm>>, %arg3: memref<32x10240xi32, #tpu.memory_space<hbm>>, %arg4: memref<32x40x256xi32, #tpu.memory_space<hbm>>, %arg5: memref<632x128xf32, #tpu.memory_space<hbm>>, %arg6: memref<2x10112x128xf32, #tpu.memory_space<hbm>>, %arg7: memref<10112x128xf32, #tpu.memory_space<vmem_shared>>, %arg8: memref<10240xi32, #tpu.memory_space<vmem>>, %arg9: memref<256xi32, #tpu.memory_space<vmem>>, %arg10: memref<256x128xf32, #tpu.memory_space<vmem>>, %arg11: memref<!tpu.dma_semaphore, #tpu.memory_space<semaphore_mem>>) attributes {dimension_semantics = [#tpu.dimension_semantics<core_parallel>, #tpu.dimension_semantics<subcore_parallel>], iteration_bounds = array<i64: 2, 16>, scalar_prefetch = 0 : i64, scratch_operands = 5 : i64, tpu.core_type = #tpu.core_type<sc_vector_subcore>, window_params = [{transform_indices = #map}, {transform_indices = #map}, {transform_indices = #map1}, {transform_indices = #map}, {transform_indices = #map1}]} {
    %mul3A = arith.constant 16 : i32
    %mul3A_0 = arith.muli %arg0, %mul3A : i32
    %add3A = arith.addi %mul3A_0, %arg1 : i32
    %mul3A_1 = arith.constant 632 : i32
    %mul3A_2 = arith.muli %arg1, %mul3A_1 : i32
    "tpu.region"() ({
      %run_scoped3A = tpu.sem_alloc : memref<!tpu.dma_semaphore, #tpu.memory_space<semaphore_mem>>
      %dma_start3A = arith.constant 0 : i32
      %dma_start3A_9 = tpu.memref_slice %arg7[%mul3A_2, %dma_start3A] : memref<10112x128xf32, #tpu.memory_space<vmem_shared>> -> memref<632x128xf32, #tpu.memory_space<vmem_shared>>
      tpu.enqueue_dma source(%arg5 : memref<632x128xf32, #tpu.memory_space<hbm>>) target(%dma_start3A_9 : memref<632x128xf32, #tpu.memory_space<vmem_shared>>) target_semaphore(%run_scoped3A : memref<!tpu.dma_semaphore, #tpu.memory_space<semaphore_mem>>)
      %dma_wait3A = arith.constant 0 : i32
      %dma_wait3A_10 = tpu.memref_slice %arg7[%mul3A_2, %dma_wait3A] : memref<10112x128xf32, #tpu.memory_space<vmem_shared>> -> memref<632x128xf32, #tpu.memory_space<vmem_shared>>
      tpu.wait_dma2 semaphore(%run_scoped3A : memref<!tpu.dma_semaphore, #tpu.memory_space<semaphore_mem>>) src(%arg5 : memref<632x128xf32, #tpu.memory_space<hbm>>) dst(%dma_wait3A_10 : memref<632x128xf32, #tpu.memory_space<vmem_shared>>)
      tpu.yield
    }) : () -> ()
    "tpu.region"() ({
      %run_scoped3A = tpu.sem_alloc : memref<!tpu.dma_semaphore, #tpu.memory_space<semaphore_mem>>
      %dma_start3A = arith.constant 0 : i32
      %dma_start3A_9 = tpu.memref_slice %arg3[%add3A, %dma_start3A] : memref<32x10240xi32, #tpu.memory_space<hbm>> -> memref<1x10240xi32, #tpu.memory_space<hbm>>
      %dma_start3A_10 = tpu.memref_squeeze %dma_start3A_9 : memref<1x10240xi32, #tpu.memory_space<hbm>> -> memref<10240xi32, #tpu.memory_space<hbm>>
      %dma_start3A_11 = arith.constant 0 : i32
      %dma_start3A_12 = tpu.memref_slice %arg3[%add3A, %dma_start3A_11] : memref<32x10240xi32, #tpu.memory_space<hbm>> -> memref<1x10240xi32, #tpu.memory_space<hbm>>
      %dma_start3A_13 = tpu.memref_squeeze %dma_start3A_12 : memref<1x10240xi32, #tpu.memory_space<hbm>> -> memref<10240xi32, #tpu.memory_space<hbm>>
      tpu.enqueue_dma source(%dma_start3A_13 : memref<10240xi32, #tpu.memory_space<hbm>>) target(%arg8 : memref<10240xi32, #tpu.memory_space<vmem>>) target_semaphore(%run_scoped3A : memref<!tpu.dma_semaphore, #tpu.memory_space<semaphore_mem>>)
      %dma_wait3A = arith.constant 0 : i32
      %dma_wait3A_14 = tpu.memref_slice %arg3[%add3A, %dma_wait3A] : memref<32x10240xi32, #tpu.memory_space<hbm>> -> memref<1x10240xi32, #tpu.memory_space<hbm>>
      %dma_wait3A_15 = tpu.memref_squeeze %dma_wait3A_14 : memref<1x10240xi32, #tpu.memory_space<hbm>> -> memref<10240xi32, #tpu.memory_space<hbm>>
      %dma_wait3A_16 = arith.constant 0 : i32
      %dma_wait3A_17 = tpu.memref_slice %arg3[%add3A, %dma_wait3A_16] : memref<32x10240xi32, #tpu.memory_space<hbm>> -> memref<1x10240xi32, #tpu.memory_space<hbm>>
      %dma_wait3A_18 = tpu.memref_squeeze %dma_wait3A_17 : memref<1x10240xi32, #tpu.memory_space<hbm>> -> memref<10240xi32, #tpu.memory_space<hbm>>
      tpu.wait_dma2 semaphore(%run_scoped3A : memref<!tpu.dma_semaphore, #tpu.memory_space<semaphore_mem>>) src(%dma_wait3A_18 : memref<10240xi32, #tpu.memory_space<hbm>>) dst(%arg8 : memref<10240xi32, #tpu.memory_space<vmem>>)
      tpu.yield
    }) : () -> ()
    %barrier3A = arith.constant 0 : index
    tpu.barrier barrier_id(%barrier3A)
    %scan3A = arith.constant 0 : i32
    %scan3A_3 = arith.constant 0 : i32
    %scan3A_4 = arith.constant 40 : i32
    %scan3A_5 = arith.addi %scan3A_3, %scan3A_4 : i32
    %scan3A_6 = arith.constant 1 : i32
    scf.for %scan3A_9 = %scan3A_3 to %scan3A_5 step %scan3A_6  : i32 {
      "tpu.region"() ({
        %run_scoped3A = tpu.sem_alloc : memref<!tpu.dma_semaphore, #tpu.memory_space<semaphore_mem>>
        %dma_start3A_18 = arith.constant 0 : i32
        %dma_start3A_19 = tpu.memref_slice %arg4[%add3A, %scan3A_9, %dma_start3A_18] : memref<32x40x256xi32, #tpu.memory_space<hbm>> -> memref<1x1x256xi32, #tpu.memory_space<hbm>>
        %dma_start3A_20 = tpu.memref_squeeze %dma_start3A_19 : memref<1x1x256xi32, #tpu.memory_space<hbm>> -> memref<256xi32, #tpu.memory_space<hbm>>
        %dma_start3A_21 = arith.constant 0 : i32
        %dma_start3A_22 = tpu.memref_slice %arg4[%add3A, %scan3A_9, %dma_start3A_21] : memref<32x40x256xi32, #tpu.memory_space<hbm>> -> memref<1x1x256xi32, #tpu.memory_space<hbm>>
        %dma_start3A_23 = tpu.memref_squeeze %dma_start3A_22 : memref<1x1x256xi32, #tpu.memory_space<hbm>> -> memref<256xi32, #tpu.memory_space<hbm>>
        tpu.enqueue_dma source(%dma_start3A_23 : memref<256xi32, #tpu.memory_space<hbm>>) target(%arg9 : memref<256xi32, #tpu.memory_space<vmem>>) target_semaphore(%run_scoped3A : memref<!tpu.dma_semaphore, #tpu.memory_space<semaphore_mem>>)
        %dma_wait3A_24 = arith.constant 0 : i32
        %dma_wait3A_25 = tpu.memref_slice %arg4[%add3A, %scan3A_9, %dma_wait3A_24] : memref<32x40x256xi32, #tpu.memory_space<hbm>> -> memref<1x1x256xi32, #tpu.memory_space<hbm>>
        %dma_wait3A_26 = tpu.memref_squeeze %dma_wait3A_25 : memref<1x1x256xi32, #tpu.memory_space<hbm>> -> memref<256xi32, #tpu.memory_space<hbm>>
        %dma_wait3A_27 = arith.constant 0 : i32
        %dma_wait3A_28 = tpu.memref_slice %arg4[%add3A, %scan3A_9, %dma_wait3A_27] : memref<32x40x256xi32, #tpu.memory_space<hbm>> -> memref<1x1x256xi32, #tpu.memory_space<hbm>>
        %dma_wait3A_29 = tpu.memref_squeeze %dma_wait3A_28 : memref<1x1x256xi32, #tpu.memory_space<hbm>> -> memref<256xi32, #tpu.memory_space<hbm>>
        tpu.wait_dma2 semaphore(%run_scoped3A : memref<!tpu.dma_semaphore, #tpu.memory_space<semaphore_mem>>) src(%dma_wait3A_29 : memref<256xi32, #tpu.memory_space<hbm>>) dst(%arg9 : memref<256xi32, #tpu.memory_space<vmem>>)
        tpu.yield
      }) : () -> ()
      %mul3A_10 = arith.constant 256 : i32
      %mul3A_11 = arith.muli %scan3A_9, %mul3A_10 : i32
      %dma_start3A = tpu.memref_slice %arg8[%mul3A_11] : memref<10240xi32, #tpu.memory_space<vmem>> -> memref<256xi32, #tpu.memory_space<vmem>>
      %dma_start3A_12 = arith.constant 0 : i32
      %dma_start3A_13 = arith.constant 0 : i32
      %dma_start3A_14 = tpu.memref_slice %arg2[%dma_start3A_12, %dma_start3A_13] : memref<10000x128xf32, #tpu.memory_space<hbm>> -> memref<10000x128xf32, #tpu.memory_space<hbm>>
      tpu.enqueue_indirect_dma source(%dma_start3A_14 : memref<10000x128xf32, #tpu.memory_space<hbm>>) target(%arg10 : memref<256x128xf32, #tpu.memory_space<vmem>>) offsets(%dma_start3A : memref<256xi32, #tpu.memory_space<vmem>>) semaphore(%arg11 : memref<!tpu.dma_semaphore, #tpu.memory_space<semaphore_mem>>)
      %dma_wait3A = tpu.memref_slice %arg8[%mul3A_11] : memref<10240xi32, #tpu.memory_space<vmem>> -> memref<256xi32, #tpu.memory_space<vmem>>
      %dma_wait3A_15 = arith.constant 0 : i32
      %dma_wait3A_16 = arith.constant 0 : i32
      %dma_wait3A_17 = tpu.memref_slice %arg2[%dma_wait3A_15, %dma_wait3A_16] : memref<10000x128xf32, #tpu.memory_space<hbm>> -> memref<10000x128xf32, #tpu.memory_space<hbm>>
      tpu.wait_indirect_dma semaphore(%arg11 : memref<!tpu.dma_semaphore, #tpu.memory_space<semaphore_mem>>) src(%dma_wait3A_17 : memref<10000x128xf32, #tpu.memory_space<hbm>>) dst(%arg10 : memref<256x128xf32, #tpu.memory_space<vmem>>)
      "tpu.region"() ({
        %run_scoped3A = tpu.sem_alloc : memref<!tpu.dma_semaphore, #tpu.memory_space<semaphore_mem>>
        %dma_start3A_18 = arith.constant 0 : i32
        %dma_start3A_19 = arith.constant 0 : i32
        %dma_start3A_20 = tpu.memref_slice %arg7[%dma_start3A_18, %dma_start3A_19] : memref<10112x128xf32, #tpu.memory_space<vmem_shared>> -> memref<10112x128xf32, #tpu.memory_space<vmem_shared>>
        tpu.enqueue_indirect_dma source(%arg10 : memref<256x128xf32, #tpu.memory_space<vmem>>) target(%dma_start3A_20 : memref<10112x128xf32, #tpu.memory_space<vmem_shared>>) offsets(%arg9 : memref<256xi32, #tpu.memory_space<vmem>>) semaphore(%run_scoped3A : memref<!tpu.dma_semaphore, #tpu.memory_space<semaphore_mem>>) {add = true}
        %dma_wait3A_21 = arith.constant 0 : i32
        %dma_wait3A_22 = arith.constant 0 : i32
        %dma_wait3A_23 = tpu.memref_slice %arg7[%dma_wait3A_21, %dma_wait3A_22] : memref<10112x128xf32, #tpu.memory_space<vmem_shared>> -> memref<10112x128xf32, #tpu.memory_space<vmem_shared>>
        tpu.wait_indirect_dma semaphore(%run_scoped3A : memref<!tpu.dma_semaphore, #tpu.memory_space<semaphore_mem>>) src(%arg10 : memref<256x128xf32, #tpu.memory_space<vmem>>) dst(%dma_wait3A_23 : memref<10112x128xf32, #tpu.memory_space<vmem_shared>>)
        tpu.yield
      }) : () -> ()
    }
    %scan3A_7 = arith.constant 40 : i32
    %barrier3A_8 = arith.constant 0 : index
    tpu.barrier barrier_id(%barrier3A_8)
    "tpu.region"() ({
      %run_scoped3A = tpu.sem_alloc : memref<!tpu.dma_semaphore, #tpu.memory_space<semaphore_mem>>
      %dma_start3A = arith.constant 0 : i32
      %dma_start3A_9 = tpu.memref_slice %arg6[%arg0, %mul3A_2, %dma_start3A] : memref<2x10112x128xf32, #tpu.memory_space<hbm>> -> memref<1x632x128xf32, #tpu.memory_space<hbm>>
      %dma_start3A_10 = tpu.memref_squeeze %dma_start3A_9 : memref<1x632x128xf32, #tpu.memory_space<hbm>> -> memref<632x128xf32, #tpu.memory_space<hbm>>
      %dma_start3A_11 = arith.constant 0 : i32
      %dma_start3A_12 = tpu.memref_slice %arg7[%mul3A_2, %dma_start3A_11] : memref<10112x128xf32, #tpu.memory_space<vmem_shared>> -> memref<632x128xf32, #tpu.memory_space<vmem_shared>>
      tpu.enqueue_dma source(%dma_start3A_12 : memref<632x128xf32, #tpu.memory_space<vmem_shared>>) target(%dma_start3A_10 : memref<632x128xf32, #tpu.memory_space<hbm>>) target_semaphore(%run_scoped3A : memref<!tpu.dma_semaphore, #tpu.memory_space<semaphore_mem>>)
      %dma_wait3A = arith.constant 0 : i32
      %dma_wait3A_13 = tpu.memref_slice %arg6[%arg0, %mul3A_2, %dma_wait3A] : memref<2x10112x128xf32, #tpu.memory_space<hbm>> -> memref<1x632x128xf32, #tpu.memory_space<hbm>>
      %dma_wait3A_14 = tpu.memref_squeeze %dma_wait3A_13 : memref<1x632x128xf32, #tpu.memory_space<hbm>> -> memref<632x128xf32, #tpu.memory_space<hbm>>
      %dma_wait3A_15 = arith.constant 0 : i32
      %dma_wait3A_16 = tpu.memref_slice %arg7[%mul3A_2, %dma_wait3A_15] : memref<10112x128xf32, #tpu.memory_space<vmem_shared>> -> memref<632x128xf32, #tpu.memory_space<vmem_shared>>
      tpu.wait_dma2 semaphore(%run_scoped3A : memref<!tpu.dma_semaphore, #tpu.memory_space<semaphore_mem>>) src(%dma_wait3A_16 : memref<632x128xf32, #tpu.memory_space<vmem_shared>>) dst(%dma_wait3A_14 : memref<632x128xf32, #tpu.memory_space<hbm>>)
      tpu.yield
    }) : () -> ()
    return
  }
}

module attributes {stable_mosaic.version = 14 : i64} {
  func.func @_tc_body(%arg0: i32, %arg1: memref<1000x128xf32, #tpu.memory_space<vmem>>, %arg2: memref<2x1000x128xf32, #tpu.memory_space<vmem>>, %arg3: memref<2x1000x128xf32, #tpu.memory_space<vmem>>, %arg4: memref<128x64xf32, #tpu.memory_space<vmem>>, %arg5: memref<1x64xf32, #tpu.memory_space<vmem>>, %arg6: memref<16x64xf32, #tpu.memory_space<vmem>>, %arg7: memref<1x64xf32, #tpu.memory_space<vmem>>, %arg8: memref<128x128xf32, #tpu.memory_space<vmem>>, %arg9: memref<1x128xf32, #tpu.memory_space<vmem>>, %arg10: memref<1000x128xf32, #tpu.memory_space<vmem>>) attributes {dimension_semantics = [#tpu.dimension_semantics<arbitrary>], iteration_bounds = array<i64: 10>, scalar_prefetch = 0 : i64, scratch_operands = 0 : i64, tpu.core_type = #tpu.core_type<tc>, window_params = [{transform_indices = @transform_0, window_bounds = array<i64: 1000, 128>}, {transform_indices = @transform_1, window_bounds = array<i64: 2, 1000, 128>}, {transform_indices = @transform_2, window_bounds = array<i64: 2, 1000, 128>}, {pipeline_mode = #tpu.pipeline_mode<synchronous>, transform_indices = @transform_3, window_bounds = array<i64: 128, 64>}, {pipeline_mode = #tpu.pipeline_mode<synchronous>, transform_indices = @transform_4, window_bounds = array<i64: 1, 64>}, {pipeline_mode = #tpu.pipeline_mode<synchronous>, transform_indices = @transform_5, window_bounds = array<i64: 16, 64>}, {pipeline_mode = #tpu.pipeline_mode<synchronous>, transform_indices = @transform_6, window_bounds = array<i64: 1, 64>}, {pipeline_mode = #tpu.pipeline_mode<synchronous>, transform_indices = @transform_7, window_bounds = array<i64: 128, 128>}, {pipeline_mode = #tpu.pipeline_mode<synchronous>, transform_indices = @transform_8, window_bounds = array<i64: 1, 128>}, {transform_indices = @transform_9, window_bounds = array<i64: 1000, 128>}]} {
    %get3A = arith.constant 0 : index
    %get3A_0 = arith.constant 0 : index
    %get3A_1 = vector.load %arg1[%get3A, %get3A_0] : memref<1000x128xf32, #tpu.memory_space<vmem>>, vector<1000x128xf32>
    %get3A_2 = arith.constant 0 : index
    %get3A_3 = arith.constant 0 : index
    %get3A_4 = arith.constant 0 : index
    %get3A_5 = vector.load %arg2[%get3A_2, %get3A_3, %get3A_4] : memref<2x1000x128xf32, #tpu.memory_space<vmem>>, vector<1x1000x128xf32>
    %get3A_6 = vector.shape_cast %get3A_5 : vector<1x1000x128xf32> to vector<1000x128xf32>
    %get3A_7 = arith.constant 1 : index
    %get3A_8 = arith.constant 0 : index
    %get3A_9 = arith.constant 0 : index
    %get3A_10 = vector.load %arg2[%get3A_7, %get3A_8, %get3A_9] : memref<2x1000x128xf32, #tpu.memory_space<vmem>>, vector<1x1000x128xf32>
    %get3A_11 = vector.shape_cast %get3A_10 : vector<1x1000x128xf32> to vector<1000x128xf32>
    %add3A = arith.addf %get3A_6, %get3A_11 : vector<1000x128xf32>
    %get3A_12 = arith.constant 0 : index
    %get3A_13 = arith.constant 0 : index
    %get3A_14 = arith.constant 0 : index
    %get3A_15 = vector.load %arg3[%get3A_12, %get3A_13, %get3A_14] : memref<2x1000x128xf32, #tpu.memory_space<vmem>>, vector<1x1000x128xf32>
    %get3A_16 = vector.shape_cast %get3A_15 : vector<1x1000x128xf32> to vector<1000x128xf32>
    %get3A_17 = arith.constant 1 : index
    %get3A_18 = arith.constant 0 : index
    %get3A_19 = arith.constant 0 : index
    %get3A_20 = vector.load %arg3[%get3A_17, %get3A_18, %get3A_19] : memref<2x1000x128xf32, #tpu.memory_space<vmem>>, vector<1x1000x128xf32>
    %get3A_21 = vector.shape_cast %get3A_20 : vector<1x1000x128xf32> to vector<1000x128xf32>
    %add3A_22 = arith.addf %get3A_16, %get3A_21 : vector<1000x128xf32>
    %slice3A = vector.extract_strided_slice %add3A_22 {offsets = [0, 0], sizes = [1000, 16], strides = [1, 1]} : vector<1000x128xf32> to vector<1000x16xf32>
    %slice3A_23 = vector.extract_strided_slice %add3A_22 {offsets = [0, 16], sizes = [1000, 1], strides = [1, 1]} : vector<1000x128xf32> to vector<1000x1xf32>
    %add3A_24 = arith.constant 1.000000e+00 : f32
    %add3A_25 = vector.broadcast %add3A_24 : f32 to vector<1000x1xf32>
    %add3A_26 = arith.addf %slice3A_23, %add3A_25 : vector<1000x1xf32>
    %div3A = arith.constant 1.000000e+00 : f32
    %div3A_27 = vector.broadcast %div3A : f32 to vector<1000x1xf32>
    %div3A_28 = arith.divf %div3A_27, %add3A_26 : vector<1000x1xf32>
    %add3A_29 = arith.addf %get3A_1, %add3A : vector<1000x128xf32>
    %mul3A = vector.broadcast %div3A_28 : vector<1000x1xf32> to vector<1000x128xf32>
    %mul3A_30 = arith.mulf %add3A_29, %mul3A : vector<1000x128xf32>
    %get3A_31 = arith.constant 0 : index
    %get3A_32 = arith.constant 0 : index
    %get3A_33 = vector.load %arg4[%get3A_31, %get3A_32] : memref<128x64xf32, #tpu.memory_space<vmem>>, vector<128x64xf32>
    %dot_general3A = arith.constant dense<0.000000e+00> : vector<1000x64xf32>
    %dot_general3A_34 = tpu.matmul %mul3A_30, %get3A_33, %dot_general3A {dimension_numbers = #tpu.dot_dimension_numbers<[1], [0], [0], [1], [0, 0, 1, 1], [], []>, transpose_lhs_hint = false} : vector<1000x128xf32>, vector<128x64xf32>, vector<1000x64xf32> -> vector<1000x64xf32>
    %get3A_35 = arith.constant 0 : index
    %get3A_36 = arith.constant 0 : index
    %get3A_37 = vector.load %arg5[%get3A_35, %get3A_36] : memref<1x64xf32, #tpu.memory_space<vmem>>, vector<1x64xf32>
    %add3A_38 = vector.broadcast %get3A_37 : vector<1x64xf32> to vector<1000x64xf32>
    %add3A_39 = arith.addf %dot_general3A_34, %add3A_38 : vector<1000x64xf32>
    %mul3A_40 = vector.broadcast %div3A_28 : vector<1000x1xf32> to vector<1000x16xf32>
    %mul3A_41 = arith.mulf %slice3A, %mul3A_40 : vector<1000x16xf32>
    %get3A_42 = arith.constant 0 : index
    %get3A_43 = arith.constant 0 : index
    %get3A_44 = vector.load %arg6[%get3A_42, %get3A_43] : memref<16x64xf32, #tpu.memory_space<vmem>>, vector<16x64xf32>
    %dot_general3A_45 = arith.constant dense<0.000000e+00> : vector<1000x64xf32>
    %dot_general3A_46 = tpu.matmul %mul3A_41, %get3A_44, %dot_general3A_45 {dimension_numbers = #tpu.dot_dimension_numbers<[1], [0], [0], [1], [0, 0, 1, 1], [], []>, transpose_lhs_hint = false} : vector<1000x16xf32>, vector<16x64xf32>, vector<1000x64xf32> -> vector<1000x64xf32>
    %mul3A_47 = arith.mulf %slice3A_23, %div3A_28 : vector<1000x1xf32>
    %get3A_48 = arith.constant 0 : index
    %get3A_49 = arith.constant 0 : index
    %get3A_50 = vector.load %arg7[%get3A_48, %get3A_49] : memref<1x64xf32, #tpu.memory_space<vmem>>, vector<1x64xf32>
    %mul3A_51 = vector.broadcast %mul3A_47 : vector<1000x1xf32> to vector<1000x64xf32>
    %mul3A_52 = vector.broadcast %get3A_50 : vector<1x64xf32> to vector<1000x64xf32>
    %mul3A_53 = arith.mulf %mul3A_51, %mul3A_52 : vector<1000x64xf32>
    %add3A_54 = arith.addf %dot_general3A_46, %mul3A_53 : vector<1000x64xf32>
    %concatenate3A = tpu.concatenate %add3A_39, %add3A_54 in 1 : vector<1000x64xf32>, vector<1000x64xf32> -> vector<1000x128xf32>
    %get3A_55 = arith.constant 0 : index
    %get3A_56 = arith.constant 0 : index
    %get3A_57 = vector.load %arg8[%get3A_55, %get3A_56] : memref<128x128xf32, #tpu.memory_space<vmem>>, vector<128x128xf32>
    %dot_general3A_58 = arith.constant dense<0.000000e+00> : vector<1000x128xf32>
    %dot_general3A_59 = tpu.matmul %concatenate3A, %get3A_57, %dot_general3A_58 {dimension_numbers = #tpu.dot_dimension_numbers<[1], [0], [0], [1], [0, 0, 1, 1], [], []>, transpose_lhs_hint = false} : vector<1000x128xf32>, vector<128x128xf32>, vector<1000x128xf32> -> vector<1000x128xf32>
    %get3A_60 = arith.constant 0 : index
    %get3A_61 = arith.constant 0 : index
    %get3A_62 = vector.load %arg9[%get3A_60, %get3A_61] : memref<1x128xf32, #tpu.memory_space<vmem>>, vector<1x128xf32>
    %add3A_63 = vector.broadcast %get3A_62 : vector<1x128xf32> to vector<1000x128xf32>
    %add3A_64 = arith.addf %dot_general3A_59, %add3A_63 : vector<1000x128xf32>
    %swap3A = arith.constant 0 : index
    %swap3A_65 = arith.constant 0 : index
    %swap3A_66 = vector.load %arg10[%swap3A, %swap3A_65] : memref<1000x128xf32, #tpu.memory_space<vmem>>, vector<1000x128xf32>
    tpu.vector_store %arg10[%swap3A, %swap3A_65], %add3A_64 {strides = array<i32>} : memref<1000x128xf32, #tpu.memory_space<vmem>>, vector<1000x128xf32>,
    return
  }
  func.func @transform_0(%arg0: i32) -> (i32, i32) {
    %c0_i32 = arith.constant 0 : i32
    %c0_i32_0 = arith.constant 0 : i32
    return %arg0, %c0_i32 : i32, i32
  }
  func.func @transform_1(%arg0: i32) -> (i32, i32, i32) {
    %c0_i32 = arith.constant 0 : i32
    %c0_i32_0 = arith.constant 0 : i32
    %c0_i32_1 = arith.constant 0 : i32
    return %c0_i32, %arg0, %c0_i32_0 : i32, i32, i32
  }
  func.func @transform_2(%arg0: i32) -> (i32, i32, i32) {
    %c0_i32 = arith.constant 0 : i32
    %c0_i32_0 = arith.constant 0 : i32
    %c0_i32_1 = arith.constant 0 : i32
    return %c0_i32, %arg0, %c0_i32_0 : i32, i32, i32
  }
  func.func @transform_3(%arg0: i32) -> (i32, i32) {
    %c0_i32 = arith.constant 0 : i32
    %c0_i32_0 = arith.constant 0 : i32
    %c0_i32_1 = arith.constant 0 : i32
    return %c0_i32, %c0_i32_0 : i32, i32
  }
  func.func @transform_4(%arg0: i32) -> (i32, i32) {
    %c0_i32 = arith.constant 0 : i32
    %c0_i32_0 = arith.constant 0 : i32
    %c0_i32_1 = arith.constant 0 : i32
    return %c0_i32, %c0_i32_0 : i32, i32
  }
  func.func @transform_5(%arg0: i32) -> (i32, i32) {
    %c0_i32 = arith.constant 0 : i32
    %c0_i32_0 = arith.constant 0 : i32
    %c0_i32_1 = arith.constant 0 : i32
    return %c0_i32, %c0_i32_0 : i32, i32
  }
  func.func @transform_6(%arg0: i32) -> (i32, i32) {
    %c0_i32 = arith.constant 0 : i32
    %c0_i32_0 = arith.constant 0 : i32
    %c0_i32_1 = arith.constant 0 : i32
    return %c0_i32, %c0_i32_0 : i32, i32
  }
  func.func @transform_7(%arg0: i32) -> (i32, i32) {
    %c0_i32 = arith.constant 0 : i32
    %c0_i32_0 = arith.constant 0 : i32
    %c0_i32_1 = arith.constant 0 : i32
    return %c0_i32, %c0_i32_0 : i32, i32
  }
  func.func @transform_8(%arg0: i32) -> (i32, i32) {
    %c0_i32 = arith.constant 0 : i32
    %c0_i32_0 = arith.constant 0 : i32
    %c0_i32_1 = arith.constant 0 : i32
    return %c0_i32, %c0_i32_0 : i32, i32
  }
  func.func @transform_9(%arg0: i32) -> (i32, i32) {
    %c0_i32 = arith.constant 0 : i32
    %c0_i32_0 = arith.constant 0 : i32
    return %arg0, %c0_i32 : i32, i32
  }
}

</mosaic_0001>

<sc_bundles>
// kernel: kernel.5.cloned.1.call-start
scs
__scs_entry_jumppad:
0x0: {  	(pc) =	sbr.rel $0x88, $3  }
0x1: {  	(tag) =	ssettag $0x0;
	lr =	simm.s32 $0x1  }
0x2: {  	[smem:$0x3F98] =	sst lr;
	_ =	strace $0xD0000000  }
0x3: {  	_ = 	snop  }
0x4: {  	_ = 	snop  }
0x5: {  	_ = 	snop  }
0x6: {  	_ = 	snop  }
0x7: {  	_ = 	snop  }
__scs_overlays_trampoline_lowered:
0x8: {  	[smem:$0x3FA7] =	sst s0  }
0x9: {  	[smem:$0x3FA8] =	sst s1  }
0xa: {  	[smem:$0x3FA9] =	sst s2  }
0xb: {  	[smem:$0x3FAA] =	sst s3  }
0xc: {  	[smem:$0x3FAB] =	sst s4  }
0xd: {  	[smem:$0x3FAC] =	sst s5  }
0xe: {  	[smem:$0x3FAD] =	sst s6  }
0xf: {  	[smem:$0x3FAE] =	sst s7  }
0x10: {  	[smem:$0x3FAF] =	sst s8  }
0x11: {  	[smem:$0x3FB0] =	sst s9;
	s0 =	simm.s32 @!p0 $0x0  }
0x12: {  	s1 =	sld [smem:$0x3F96];
	s0 =	simm.s32 @p0 $0x1  }
0x13: {  	[smem:$0x3FB1] =	sst s0;
	s0 =	simm.s32 @!p1 $0x0  }
0x14: {  	s2 =	sld [smem:$0x3F95];
	s0 =	simm.s32 @p1 $0x1  }
0x15: {  	[smem:$0x3FB2] =	sst s0;
	s0 =	simm.s32 @!p2 $0x0  }
0x16: {  	s3 =	sld [smem:$0x3FDB];
	s0 =	simm.s32 @p2 $0x1  }
0x17: {  	s4 =	simm.s32 $0x1BF5;
	[smem:$0x3FB4] =	sst s0  }
0x18: {  	s0 =	sld [smem:$0x3F97];
	_ =	swait.ge [sflag:s4], $0x0  }
0x19: {  	s7 =	sld [smem:$0x3F98]  }
0x1a: {  	s8 =	sadd.s32 $0xFFFFE003, lr  }
0x1b: {  	s9 =	sadd.s32 $0xFFFFFEF7, lr;
	s5 =	simm.s32 $0xFFFFFFFF;
	p2 =	slt.u32 s8, $0xFFFFF086  }
0x1c: {  	p1 =	slt.u32 s9, $0xF7A;
	s5 =	simm.s32 @!p2 $0x0  }
0x1d: {  	s5 =	simm.s32 @p1 $0x1;
	p0 =	seq.s32 s7, s2  }
0x1e: {  	s7 =	smul.u32 @!p0 $0xF7A, s2;
	p2 =	seq.s32 @!p0 s5, $0x0  }
0x1f: {  	s9 =	smul.u32 $0xF7A, s1;
	s8 =	simm.s32 @!p0 $0x1BF5;
	p2 =	por !p2, p0  }
0x20: {  	[sflag:s8] =	ssyncset.s32 @!p0 $0xFFFFF086;
	s6 =	sadd.s32 @!p0 s3, s7;
	s7 =	simm.s32 @!p0 $0x108  }
0x21: {  	s3 =	sadd.s32 s3, s9;
	s6 =	sadd.s32 @!p0 $0x88, s6;
	s7 =	simm.s32 @p2 $0x1082  }
0x22: {  	[simem:s7], [sflag:s8] =	dma.local @!p0 [hbm:s6], $0xF7A  }
0x23: {  	s9 =	sor.u32 $0xD0000000, s2;
	s6 =	simm.s32 $0x108;
	_ =	swait.ge @!p0 [sflag:s8], $0x0  }
0x24: {  	s3 =	sadd.s32 $0x88, s3;
	s6 =	simm.s32 @!p1 $0x1082;
	[sflag:s4] =	ssyncset.s32 $0xFFFFF086  }
0x25: {  	[simem:s6], [sflag:s4] =	dma.local [hbm:s3], $0xF7A  }
0x26: {  	[smem:$0x3F98] =	sst s1;
	(tag) =	ssettag s2;
	_ =	strace s9  }
0x27: {  	s1 =	sld [smem:$0x3FA8]  }
0x28: {  	s2 =	sld [smem:$0x3FA9]  }
0x29: {  	s4 =	sld [smem:$0x3FAB]  }
0x2a: {  	p0 =	seq.s32 s5, $0x0;
	s5 =	sld [smem:$0x3FAC]  }
0x2b: {  	s6 =	sld [smem:$0x3FAD]  }
0x2c: {  	s7 =	sld [smem:$0x3FAE]  }
0x2d: {  	s3 =	simm.s32 $0x108;
	s8 =	sld [smem:$0x3FAF]  }
0x2e: {  	s3 =	simm.s32 @!p0 $0x1082;
	s9 =	sld [smem:$0x3FB0]  }
0x2f: {  	lr =	sadd.s32 s0, s3;
	s0 =	sld [smem:$0x3FA7]  }
0x30: {  	s3 =	sld [smem:$0x3FAA]  }
0x31: {  	[smem:$0x3FB3] =	sst s10  }
0x32: {  	s10 =	sld [smem:$0x3FB1];
	_ =	sdelay $0x3  }
0x33: {  	p0 =	seq.s32 s10, $0x1;
	s10 =	sld [smem:$0x3FB3];
	_ =	sdelay $0x3  }
0x34: {  	[smem:$0x3FB3] =	sst s10  }
0x35: {  	s10 =	sld [smem:$0x3FB2];
	_ =	sdelay $0x3  }
0x36: {  	p1 =	seq.s32 s10, $0x1;
	s10 =	sld [smem:$0x3FB3];
	_ =	sdelay $0x3  }
0x37: {  	[smem:$0x3FB3] =	sst s10  }
0x38: {  	s10 =	sld [smem:$0x3FB4]  }
0x39: {  	_ = 	snop;
	(pc) =	sbr.ind lr, $3  }
0x3a: {  	_ = 	snop  }
0x3b: {  	_ = 	snop  }
0x3c: {  	p2 =	seq.s32 s10, $0x1;
	s10 =	sld [smem:$0x3FB3]  }
0x3d: {  	_ =	shalt  }
0x3e: {  	_ =	shalt  }
0x3f: {  	_ =	shalt  }
0x40: {  	_ =	shalt  }
0x41: {  	_ =	shalt  }
0x42: {  	_ =	shalt  }
0x43: {  	_ =	shalt  }
0x44: {  	_ =	shalt  }
0x45: {  	_ =	shalt  }
0x46: {  	_ =	shalt  }
0x47: {  	_ =	shalt  }
0x48: {  	_ =	shalt  }
0x49: {  	_ =	shalt  }
0x4a: {  	_ =	shalt  }
0x4b: {  	_ =	shalt  }
0x4c: {  	_ =	shalt  }
0x4d: {  	_ =	shalt  }
0x4e: {  	_ =	shalt  }
0x4f: {  	_ =	shalt  }
0x50: {  	_ =	shalt  }
0x51: {  	_ =	shalt  }
0x52: {  	_ =	shalt  }
0x53: {  	_ =	shalt  }
0x54: {  	_ =	shalt  }
0x55: {  	_ =	shalt  }
0x56: {  	_ =	shalt  }
0x57: {  	_ =	shalt  }
0x58: {  	_ =	shalt  }
0x59: {  	_ =	shalt  }
0x5a: {  	_ =	shalt  }
0x5b: {  	_ =	shalt  }
0x5c: {  	_ =	shalt  }
0x5d: {  	_ =	shalt  }
0x5e: {  	_ =	shalt  }
0x5f: {  	_ =	shalt  }
0x60: {  	_ =	shalt  }
0x61: {  	_ =	shalt  }
0x62: {  	_ =	shalt  }
0x63: {  	_ =	shalt  }
0x64: {  	_ =	shalt  }
0x65: {  	_ =	shalt  }
0x66: {  	_ =	shalt  }
0x67: {  	_ =	shalt  }
0x68: {  	_ =	shalt  }
0x69: {  	_ =	shalt  }
0x6a: {  	_ =	shalt  }
0x6b: {  	_ =	shalt  }
0x6c: {  	_ =	shalt  }
0x6d: {  	_ =	shalt  }
0x6e: {  	_ =	shalt  }
0x6f: {  	_ =	shalt  }
0x70: {  	_ =	shalt  }
0x71: {  	_ =	shalt  }
0x72: {  	_ =	shalt  }
0x73: {  	_ =	shalt  }
0x74: {  	_ =	shalt  }
0x75: {  	_ =	shalt  }
0x76: {  	_ =	shalt  }
0x77: {  	_ =	shalt  }
0x78: {  	_ =	shalt  }
0x79: {  	_ =	shalt  }
0x7a: {  	_ =	shalt  }
0x7b: {  	_ =	shalt  }
0x7c: {  	_ =	shalt  }
0x7d: {  	_ =	shalt  }
0x7e: {  	_ =	shalt  }
0x7f: {  	_ =	shalt  }
0x80: {  	_ =	shalt  }
0x81: {  	_ =	shalt  }
0x82: {  	_ =	shalt  }
0x83: {  	_ =	shalt  }
0x84: {  	_ =	shalt  }
0x85: {  	_ =	shalt  }
0x86: {  	_ =	shalt  }
0x87: {  	_ =	shalt  }
.Lfunc_end0:
.L_simem_size_0:
called_computation_lowered:
.L_overlay_start_0:
0x88: {  	s2 =	sld [smem:$0x3FD9]  }
0x89: {  	s3 =	sld [smem:$0x3FFE];
	_ =	sdelay $0x1  }
0x8a: {  	s1 =	srdreg.scid  }
0x8b: {  	s0 =	sand.u32 $0x1, s1  }
0x8c: {  	s17 =	sshll.u32 s0, $0xA;
	s2 =	sadd.s32 s3, s2  }
0x8d: {  	s2 =	sadd.s32 s2, s17  }
0x8e: {  	[smem:$0x3FBF] =	sst s2  }
0x8f: {  	_ = 	snop  }
0x90: {  	s2 =	sld [smem:$0x3FC9];
	(tm) =	ssettm $0x1  }
0x91: {  	s18 =	sld [smem:$0x3FFB];
	_ =	sdelay $0x3  }
0x92: {  	_ =	strace s18  }
0x93: {  	s3 =	sld [smem:$0x3FFC];
	_ =	sdelay $0x3  }
0x94: {  	_ =	strace s3  }
0x95: {  	s3 =	sld [smem:$0x3FFD];
	_ =	sdelay $0x3  }
0x96: {  	_ =	strace s3  }
0x97: {  	_ =	strace $0x8FFFFFFF  }
0x98: {  	s19 =	sld [smem:$0x3FDB];
	_ =	sdelay $0x1  }
0x99: {  	s4 =	simm.s32 $_scs_section_size  }
0x9a: {  	s5 =	simm.s32 $_size__tile_overlayer_lowered;
	s6 =	simm.s32 $_tile_overlayer_lowered  }
0x9b: {  	s22 =	simm.s32 $0x1BFF;
	s21 =	sshll.u32 s6, $0x1;
	s3 =	sadd.s32 s4, s19  }
0x9c: {  	s7 =	simm.s32 $0x0;
	s20 =	sshll.u32 s5, $0x1;
	s5 =	sadd.s32 s21, s3  }
0x9d: {  	[timem:s7], [sflag:s22] =	dma.local [hbm:s5], s20  }
0x9e: {  	_ =	swait.ge [sflag:s22], s20  }
0x9f: {  	s4 =	ssub.s32 $0x0, s20;
	[sflag:s22] =	ssyncset.done $0x0  }
0xa0: {  	[sflag:s22] =	ssyncadd.s32 s4;
	_ =	sdelay $0x1  }
0xa1: {  	s23 =	simm.s32 $0x1B8B  }
0xa2: {  	_ =	swait.ge [sflag:s23], $0x1  }
0xa3: {  	[sflag:s23] =	ssyncset.done $0x0  }
0xa4: {  	s25 =	simm.s32 $0x1B8E;
	s24 =	sld [smem:$0x3FFE];
	[sflag:s23] =	ssyncadd.s32 $0xFFFFFFFF  }
0xa5: {  	s26 =	simm.s32 $execute0_lowered;
	[smem:$0x3FD2] =	sst s25  }
0xa6: {  	s5 =	sshll.u32 s26, $0x1;
	_ =	strace $0x80000046;
	[dreg:$0x1] =	wrdreg $0xFFFFFFFF  }
0xa7: {  	s28 =	simm.s32 $_size_execute0_lowered;
	s3 =	sadd.s32 s3, s5;
	[dreg:$0x0] =	wrdreg $0x0  }
0xa8: {  	s5 =	sshll.u32 s28, $0x1;
	[dreg:$0x2] =	wrdreg s3  }
0xa9: {  	[dreg:$0x3] =	wrdreg s5  }
0xaa: {  	[dreg:$0x4] =	wrdreg $0xC0  }
0xab: {  	_ =	task [dreg:s7], $0x5FFFF  }
0xac: {  	[dreg:$0x1] =	wrdreg $0xFFFFFFFF  }
0xad: {  	[dreg:$0x0] =	wrdreg $0x60  }
0xae: {  	[dreg:$0x2] =	wrdreg s2  }
0xaf: {  	[dreg:$0x3] =	wrdreg s24  }
0xb0: {  	[dreg:$0x4] =	wrdreg $0x0  }
0xb1: {  	[dreg:$0x5] =	wrdreg $0x9  }
0xb2: {  	_ =	task.clear_ibuf [dreg:s7], $0x6FFFF;
	_ =	strace $0x90000046  }
0xb3: {  	s29 =	simm.s32 $0x9;
	_ =	strace $0x80000048  }
0xb4: {  	_ =	swait.ge [sflag:s29], $0x1  }
0xb5: {  	[sflag:s29] =	ssyncadd.s32 $0xFFFFFFFF  }
0xb6: {  	_ =	strace $0x90000048  }
0xb7: {  	_ =	sfence  }
0xb8: {  	s30 =	sld [smem:$0x0];
	_ =	sdelay $0x2  }
0xb9: {  	s31 =	sshll.u32 s1, $0xD;
	s1 =	sshrl.u32 s1, $0x2  }
0xba: {  	s3 =	sand.u32 $0x4000, s31;
	s1 =	sadd.s32 s1, s30  }
0xbb: {  	s0 =	sor.u32 s3, s0;
	s1 =	sshll.u32 s1, $0x11  }
0xbc: {  	s0 =	sor.u32 s1, s0  }
0xbd: {  	s0 =	sadd.s32 $0x8F2B, s0  }
0xbe: {  	[sflag:s0] =	ssyncadd.remote.s32 $0x1  }
0xbf: {  	_ =	sfence.sel $0xFFFF  }
0xc0: {  	[dreg:$0x0] =	wrdreg $0xFFFFFFFF;
	(pc) =	sbr.abs _section_cstart, $3  }
0xc1: {  	[dreg:$0x1] =	wrdreg $0xFFFFFFFF  }
0xc2: {  	_ =	task.clear_ibuf [dreg:s7], $0x2FFFF;
	_ =	strace $0x9FFFFFFF  }
0xc3: {  	(tm) =	ssettm $0x7FFFFFFF  }
tec
execute0_lowered:
.L_overlay_start_1:
0x0: {  	(tag) =	ssettag $0x1  }
0x1: {  	s1 =	rddreg [dreg:$0x0]  }
0x2: {  	s7 =	rddreg [dreg:$0x1]  }
0x3: {  	s0 =	srdreg.scid;
	s3 =	rddreg [dreg:$0x2];
	s15 =	simm.s32 $0x400  }
0x4: {  	s16 =	simm.s32 $0x16400;
	s17 =	simm.s32 $0x100;
	s18 =	simm.s32 $0x16500  }
0x5: {  	s19 =	simm.s32 $0x1;
	s20 =	simm.s32 $0x0;
	s6 =	sand.u32 $0x1, s0  }
0x6: {  	s0 =	stileid.u32;
	s2 =	sshll.u32 s6, $0x4;
	s10 =	smul.u32 $0x13C000, s6  }
0x7: {  	s8 =	sshll.u32 s0, $0x7;
	s26 =	smul.u32 $0x13C00, s0;
	s28 =	ssub.s32 $0x2, s6  }
0x8: {  	s12 =	smul.u32 $0x4F000, s0;
	s6 =	sadd.s32 $0x16600, s7;
	s31 =	sshll.u32 s0, $0x6  }
0x9: {  	s9 =	sor.u32 s0, s2;
	s2 =	rddreg [dreg:$0x3];
	s29 =	sshrl.u32 s28, $0x1  }
0xa: {  	s8 =	sand.u32 $0x380, s8;
	s4 =	sshrl.u32 s9, $0x3;
	s14 =	ssub.s32 s28, s29  }
0xb: {  	s30 =	sshrl.u32 s12, $0x2;
	s5 =	smul.u32 $0x14000, s4;
	s4 =	simm.s32 $0x0  }
0xc: {  	s9 =	smul.u32 $0x2800, s9;
	s12 =	sadd.s32 s30, s3;
	[smem:$0x7FF] =	sst s4  }
0xd: {  	s12 =	sshrl.u32 s12, $0x3;
	s5 =	sor.u32 s8, s5;
	s8 =	sadd.s32 s26, s10  }
0xe: {  	_ =	strace $0x80000047;
	s5 =	sshrl.u32 s5, $0x3;
	s8 =	sshrl.u32 s8, $0x3  }
0xf: {  	s11 =	sadd.s32 s5, s7;
	s5 =	sadd.s32 $0xC600, s7;
	s13 =	sadd.s32 s8, s7  }
0x10: {  	s7 =	sor.u32 $0x1C02, s31;
	s8 =	sadd.s32 $0x2600, s11;
	s10 =	sadd.s32 $0x18E00, s13  }
0x11: {  	s11 =	smax.u32 s14, $0x1;
	s13 =	simm.s32 $0x2;
	s14 =	simm.s32 $0x80  }
.LBB2_1:
0x12: {  	[spmem:s12], [sflag:s7] =	dma.local [hbm:s6], $0x2780  }
0x13: {  	_ =	swait.ge [sflag:s13], $0x2780  }
0x14: {  	[sflag:s13] =	ssyncset.done $0x0  }
0x15: {  	s21 =	simm.s32 $0x13C00;
	s22 =	sand.u32 $0x3800, s4;
	[sflag:s13] =	ssyncadd.s32 $0xFFFFD880  }
0x16: {  	[tilespmem:s21], [sflag:$0x2] =	stream.strided.gather [hbm4b:s8+s14], $0x2800, s15, s14, $0x38;
	[tilespmem:$0x1E500] =	vst v63  }
0x17: {  	s23 =	sand.u32 $0x380, s4;
	s22 =	sadd.s32 s9, s22;
	_ =	swait.ge [sflag:s13], $0x2800  }
0x18: {  	s22 =	sor.u32 s23, s22;
	[sflag:s13] =	ssyncset.done $0x0  }
0x19: {  	s22 =	sshrl.u32 s22, $0x3;
	[sflag:s13] =	ssyncadd.s32 $0xFFFFD800  }
0x1a: {  	s22 =	sadd.s32 s5, s22;
	[bflag:$0x0] =	sbarrier.arrive $0xFFFF  }
0x1b: {  	[tilespmem:s16], [sflag:$0x2] =	stream.strided.gather [hbm4b:s22+s14], $0x100, s15, s14, $0x38;
	[tilespmem:$0x1E500] =	vst v63  }
0x1c: {  	_ =	swait.ge [sflag:s13], $0x100  }
0x1d: {  	[sflag:s13] =	ssyncset.done $0x0  }
0x1e: {  	[sflag:s13] =	ssyncadd.s32 $0xFFFFFF00  }
0x1f: {  	[tilespmem:s18], [sflag:$0x1] =	stream.indirect.gather [hbm4b:s1+s17], $0x80, s21, s17, $0xb8;
	[tilespmem:$0x1E500] =	vst v63  }
0x20: {  	_ =	swait.ge [sflag:s19], $0x8000  }
0x21: {  	s31 =	simm.s32 $0x100;
	s23 =	simm.s32 $0x200;
	[sflag:s19] =	ssyncset.done $0x0  }
0x22: {  	s22 =	simm.s32 $0x80;
	s21 =	sand.u32 $0x3800, s31;
	[sflag:s19] =	ssyncadd.s32 $0xFFFF8000  }
0x23: {  	[spmem:s3] =	stream.indirect.scatter.add.f32 [tilespmem:s18], [sflag:$0x2], $0x80, s16, s17, $0xb8;
	[tilespmem:$0x1E500] =	vst v63  }
0x24: {  	s24 =	sand.u32 $0x380, s22;
	s21 =	sadd.s32 s9, s21;
	_ =	swait.ge [sflag:s13], $0x8000  }
0x25: {  	s24 =	sor.u32 s24, s21;
	s21 =	simm.s32 $0x13D00;
	[sflag:s13] =	ssyncset.done $0x0  }
.LBB2_2:
0x26: {  	s24 =	sshrl.u32 s24, $0x3  }
0x27: {  	[sflag:s13] =	ssyncadd.s32 $0xFFFF8000;
	s25 =	smov.u32 s23;
	s26 =	sadd.s32 $0x100, s23  }
0x28: {  	p0 =	sne.s32 s23, $0x2700;
	s23 =	sadd.s32 s5, s24  }
0x29: {  	[tilespmem:s16], [sflag:$0x2] =	stream.strided.gather [hbm4b:s23+s14], $0x100, s15, s14, $0x38;
	[tilespmem:$0x1E500] =	vst v63  }
0x2a: {  	_ =	swait.ge [sflag:s13], $0x100  }
0x2b: {  	[sflag:s13] =	ssyncset.done $0x0  }
0x2c: {  	[sflag:s13] =	ssyncadd.s32 $0xFFFFFF00  }
0x2d: {  	[tilespmem:s18], [sflag:$0x1] =	stream.indirect.gather [hbm4b:s1+s17], $0x80, s21, s17, $0xb8;
	[tilespmem:$0x1E500] =	vst v63  }
0x2e: {  	s22 =	sadd.s32 $0x80, s22;
	_ =	swait.ge [sflag:s19], $0x8000  }
.Ltmp0:
0x2f: {  	s23 =	sand.u32 $0x3800, s25;
	[sflag:s19] =	ssyncset.done $0x0;
	(pc) =	sbr.rel @p0 .LBB2_2-.Ltmp0, $4  }
0x30: {  	s24 =	sand.u32 $0x380, s22;
	s23 =	sadd.s32 s9, s23;
	[sflag:s19] =	ssyncadd.s32 $0xFFFF8000  }
0x31: {  	[spmem:s3] =	stream.indirect.scatter.add.f32 [tilespmem:s18], [sflag:$0x2], $0x80, s16, s17, $0xb8;
	[tilespmem:$0x1E500] =	vst v63  }
0x32: {  	s24 =	sor.u32 s24, s23;
	_ =	swait.ge [sflag:s13], $0x8000  }
0x33: {  	s23 =	smov.u32 s26;
	s21 =	sadd.s32 $0x100, s21;
	[sflag:s13] =	ssyncset.done $0x0  }
0x34: {  	s22 =	sshrl.u32 s24, $0x3  }
0x35: {  	[sflag:s13] =	ssyncadd.s32 $0xFFFF8000;
	s22 =	sadd.s32 s5, s22  }
0x36: {  	[tilespmem:s16], [sflag:$0x2] =	stream.strided.gather [hbm4b:s22+s14], $0x100, s15, s14, $0x38;
	[tilespmem:$0x1E500] =	vst v63  }
0x37: {  	_ =	swait.ge [sflag:s13], $0x100  }
0x38: {  	[sflag:s13] =	ssyncset.done $0x0  }
0x39: {  	[sflag:s13] =	ssyncadd.s32 $0xFFFFFF00  }
0x3a: {  	[tilespmem:s18], [sflag:$0x1] =	stream.indirect.gather [hbm4b:s1+s17], $0x80, s21, s17, $0xb8;
	[tilespmem:$0x1E500] =	vst v63  }
0x3b: {  	_ =	swait.ge [sflag:s19], $0x8000  }
0x3c: {  	[sflag:s19] =	ssyncset.done $0x0  }
0x3d: {  	[sflag:s19] =	ssyncadd.s32 $0xFFFF8000  }
0x3e: {  	[spmem:s3] =	stream.indirect.scatter.add.f32 [tilespmem:s18], [sflag:$0x2], $0x80, s16, s17, $0xb8;
	[tilespmem:$0x1E500] =	vst v63  }
0x3f: {  	_ =	swait.ge [sflag:s13], $0x8000  }
0x40: {  	s20 =	sadd.s32 $0x1, s20;
	[sflag:s13] =	ssyncset.done $0x0  }
0x41: {  	p0 =	sne.s32 s20, s11;
	[sflag:s13] =	ssyncadd.s32 $0xFFFF8000  }
.Ltmp1:
0x42: {  	[bflag:$0x0] =	sbarrier.arrive $0xFFFF;
	(pc) =	sbr.rel @p0 .LBB2_1-.Ltmp1, $4  }
0x43: {  	[hbm:s10], [sflag:s7] =	dma.local [spmem:s12], $0x2780  }
0x44: {  	_ =	swait.ge [sflag:s13], $0x2780  }
0x45: {  	[sflag:s13] =	ssyncset.done $0x0  }
0x46: {  	[sflag:s13] =	ssyncadd.s32 $0xFFFFD880  }
0x47: {  	_ =	sfence.sel $0x180000  }
0x48: {  	[bflag:$0x0] =	sbarrier.arrive $0xFFFF  }
0x49: {  	p0 =	sne.s32 s0, $0x0;
	_ =	strace $0x90000047  }
0x4a: {  	s0 =	sadd.s32 @!p0 $0x100000, s2;
	[bflag:$0x2] =	sbarrier.arrive $0xFFFF  }
0x4b: {  	[sflag:s0] =	ssyncadd.tile.s32 @!p0 $0x1;
	_ =	shalt  }
.Lfunc_end2:
_tile_overlayer_lowered:
.L_overlay_start_2:
0x4c: {  	(tag) =	ssettag $0x2  }
0x4d: {  	s0 =	rddreg [dreg:$0x0];
	s2 =	stileid.u32  }
0x4e: {  	s1 =	rddreg [dreg:$0x1];
	p0 =	sne.s32 s2, $0x0  }
0x4f: {  	s3 =	rddreg [dreg:$0x2];
	[bflag:$0x3] =	sbarrier.arrive $0xFFFF;
	s2 =	simm.s32 @!p0 $0x1C02  }
0x50: {  	[timem:s3], [sflag:s2] =	dma.local @!p0 [hbm:s0], s1  }
0x51: {  	s0 =	simm.s32 @!p0 $0x2  }
0x52: {  	_ =	swait.ge @!p0 [sflag:s0], s1  }
0x53: {  	s1 =	ssub.s32 @!p0 $0x0, s1;
	[sflag:s0] =	ssyncset.done @!p0 $0x0  }
0x54: {  	[sflag:s0] =	ssyncadd.s32 @!p0 s1  }
0x55: {  	[bflag:$0x3] =	sbarrier.arrive $0xFFFF  }
0x56: {  	_ =	shalt  }

// kernel: kernel.8.cloned.1.call-start
scs
__scs_entry_jumppad:
0x0: {  	(pc) =	sbr.rel $0x88, $3  }
0x1: {  	(tag) =	ssettag $0x0;
	lr =	simm.s32 $0x1  }
0x2: {  	[smem:$0x3F98] =	sst lr;
	_ =	strace $0xD0000000  }
0x3: {  	_ = 	snop  }
0x4: {  	_ = 	snop  }
0x5: {  	_ = 	snop  }
0x6: {  	_ = 	snop  }
0x7: {  	_ = 	snop  }
__scs_overlays_trampoline_lowered:
0x8: {  	[smem:$0x3FA7] =	sst s0  }
0x9: {  	[smem:$0x3FA8] =	sst s1  }
0xa: {  	[smem:$0x3FA9] =	sst s2  }
0xb: {  	[smem:$0x3FAA] =	sst s3  }
0xc: {  	[smem:$0x3FAB] =	sst s4  }
0xd: {  	[smem:$0x3FAC] =	sst s5  }
0xe: {  	[smem:$0x3FAD] =	sst s6  }
0xf: {  	[smem:$0x3FAE] =	sst s7  }
0x10: {  	[smem:$0x3FAF] =	sst s8  }
0x11: {  	[smem:$0x3FB0] =	sst s9;
	s0 =	simm.s32 @!p0 $0x0  }
0x12: {  	s1 =	sld [smem:$0x3F96];
	s0 =	simm.s32 @p0 $0x1  }
0x13: {  	[smem:$0x3FB1] =	sst s0;
	s0 =	simm.s32 @!p1 $0x0  }
0x14: {  	s2 =	sld [smem:$0x3F95];
	s0 =	simm.s32 @p1 $0x1  }
0x15: {  	[smem:$0x3FB2] =	sst s0;
	s0 =	simm.s32 @!p2 $0x0  }
0x16: {  	s3 =	sld [smem:$0x3FDB];
	s0 =	simm.s32 @p2 $0x1  }
0x17: {  	s4 =	simm.s32 $0x1BF5;
	[smem:$0x3FB4] =	sst s0  }
0x18: {  	s0 =	sld [smem:$0x3F97];
	_ =	swait.ge [sflag:s4], $0x0  }
0x19: {  	s7 =	sld [smem:$0x3F98]  }
0x1a: {  	s8 =	sadd.s32 $0xFFFFE003, lr  }
0x1b: {  	s9 =	sadd.s32 $0xFFFFFEF7, lr;
	s5 =	simm.s32 $0xFFFFFFFF;
	p2 =	slt.u32 s8, $0xFFFFF086  }
0x1c: {  	p1 =	slt.u32 s9, $0xF7A;
	s5 =	simm.s32 @!p2 $0x0  }
0x1d: {  	s5 =	simm.s32 @p1 $0x1;
	p0 =	seq.s32 s7, s2  }
0x1e: {  	s7 =	smul.u32 @!p0 $0xF7A, s2;
	p2 =	seq.s32 @!p0 s5, $0x0  }
0x1f: {  	s9 =	smul.u32 $0xF7A, s1;
	s8 =	simm.s32 @!p0 $0x1BF5;
	p2 =	por !p2, p0  }
0x20: {  	[sflag:s8] =	ssyncset.s32 @!p0 $0xFFFFF086;
	s6 =	sadd.s32 @!p0 s3, s7;
	s7 =	simm.s32 @!p0 $0x108  }
0x21: {  	s3 =	sadd.s32 s3, s9;
	s6 =	sadd.s32 @!p0 $0x88, s6;
	s7 =	simm.s32 @p2 $0x1082  }
0x22: {  	[simem:s7], [sflag:s8] =	dma.local @!p0 [hbm:s6], $0xF7A  }
0x23: {  	s9 =	sor.u32 $0xD0000000, s2;
	s6 =	simm.s32 $0x108;
	_ =	swait.ge @!p0 [sflag:s8], $0x0  }
0x24: {  	s3 =	sadd.s32 $0x88, s3;
	s6 =	simm.s32 @!p1 $0x1082;
	[sflag:s4] =	ssyncset.s32 $0xFFFFF086  }
0x25: {  	[simem:s6], [sflag:s4] =	dma.local [hbm:s3], $0xF7A  }
0x26: {  	[smem:$0x3F98] =	sst s1;
	(tag) =	ssettag s2;
	_ =	strace s9  }
0x27: {  	s1 =	sld [smem:$0x3FA8]  }
0x28: {  	s2 =	sld [smem:$0x3FA9]  }
0x29: {  	s4 =	sld [smem:$0x3FAB]  }
0x2a: {  	p0 =	seq.s32 s5, $0x0;
	s5 =	sld [smem:$0x3FAC]  }
0x2b: {  	s6 =	sld [smem:$0x3FAD]  }
0x2c: {  	s7 =	sld [smem:$0x3FAE]  }
0x2d: {  	s3 =	simm.s32 $0x108;
	s8 =	sld [smem:$0x3FAF]  }
0x2e: {  	s3 =	simm.s32 @!p0 $0x1082;
	s9 =	sld [smem:$0x3FB0]  }
0x2f: {  	lr =	sadd.s32 s0, s3;
	s0 =	sld [smem:$0x3FA7]  }
0x30: {  	s3 =	sld [smem:$0x3FAA]  }
0x31: {  	[smem:$0x3FB3] =	sst s10  }
0x32: {  	s10 =	sld [smem:$0x3FB1];
	_ =	sdelay $0x3  }
0x33: {  	p0 =	seq.s32 s10, $0x1;
	s10 =	sld [smem:$0x3FB3];
	_ =	sdelay $0x3  }
0x34: {  	[smem:$0x3FB3] =	sst s10  }
0x35: {  	s10 =	sld [smem:$0x3FB2];
	_ =	sdelay $0x3  }
0x36: {  	p1 =	seq.s32 s10, $0x1;
	s10 =	sld [smem:$0x3FB3];
	_ =	sdelay $0x3  }
0x37: {  	[smem:$0x3FB3] =	sst s10  }
0x38: {  	s10 =	sld [smem:$0x3FB4]  }
0x39: {  	_ = 	snop;
	(pc) =	sbr.ind lr, $3  }
0x3a: {  	_ = 	snop  }
0x3b: {  	_ = 	snop  }
0x3c: {  	p2 =	seq.s32 s10, $0x1;
	s10 =	sld [smem:$0x3FB3]  }
0x3d: {  	_ =	shalt  }
0x3e: {  	_ =	shalt  }
0x3f: {  	_ =	shalt  }
0x40: {  	_ =	shalt  }
0x41: {  	_ =	shalt  }
0x42: {  	_ =	shalt  }
0x43: {  	_ =	shalt  }
0x44: {  	_ =	shalt  }
0x45: {  	_ =	shalt  }
0x46: {  	_ =	shalt  }
0x47: {  	_ =	shalt  }
0x48: {  	_ =	shalt  }
0x49: {  	_ =	shalt  }
0x4a: {  	_ =	shalt  }
0x4b: {  	_ =	shalt  }
0x4c: {  	_ =	shalt  }
0x4d: {  	_ =	shalt  }
0x4e: {  	_ =	shalt  }
0x4f: {  	_ =	shalt  }
0x50: {  	_ =	shalt  }
0x51: {  	_ =	shalt  }
0x52: {  	_ =	shalt  }
0x53: {  	_ =	shalt  }
0x54: {  	_ =	shalt  }
0x55: {  	_ =	shalt  }
0x56: {  	_ =	shalt  }
0x57: {  	_ =	shalt  }
0x58: {  	_ =	shalt  }
0x59: {  	_ =	shalt  }
0x5a: {  	_ =	shalt  }
0x5b: {  	_ =	shalt  }
0x5c: {  	_ =	shalt  }
0x5d: {  	_ =	shalt  }
0x5e: {  	_ =	shalt  }
0x5f: {  	_ =	shalt  }
0x60: {  	_ =	shalt  }
0x61: {  	_ =	shalt  }
0x62: {  	_ =	shalt  }
0x63: {  	_ =	shalt  }
0x64: {  	_ =	shalt  }
0x65: {  	_ =	shalt  }
0x66: {  	_ =	shalt  }
0x67: {  	_ =	shalt  }
0x68: {  	_ =	shalt  }
0x69: {  	_ =	shalt  }
0x6a: {  	_ =	shalt  }
0x6b: {  	_ =	shalt  }
0x6c: {  	_ =	shalt  }
0x6d: {  	_ =	shalt  }
0x6e: {  	_ =	shalt  }
0x6f: {  	_ =	shalt  }
0x70: {  	_ =	shalt  }
0x71: {  	_ =	shalt  }
0x72: {  	_ =	shalt  }
0x73: {  	_ =	shalt  }
0x74: {  	_ =	shalt  }
0x75: {  	_ =	shalt  }
0x76: {  	_ =	shalt  }
0x77: {  	_ =	shalt  }
0x78: {  	_ =	shalt  }
0x79: {  	_ =	shalt  }
0x7a: {  	_ =	shalt  }
0x7b: {  	_ =	shalt  }
0x7c: {  	_ =	shalt  }
0x7d: {  	_ =	shalt  }
0x7e: {  	_ =	shalt  }
0x7f: {  	_ =	shalt  }
0x80: {  	_ =	shalt  }
0x81: {  	_ =	shalt  }
0x82: {  	_ =	shalt  }
0x83: {  	_ =	shalt  }
0x84: {  	_ =	shalt  }
0x85: {  	_ =	shalt  }
0x86: {  	_ =	shalt  }
0x87: {  	_ =	shalt  }
.Lfunc_end0:
.L_simem_size_0:
called_computation.1_lowered:
.L_overlay_start_0:
0x88: {  	s2 =	sld [smem:$0x3FD9]  }
0x89: {  	s3 =	sld [smem:$0x3FFE];
	_ =	sdelay $0x1  }
0x8a: {  	s1 =	srdreg.scid  }
0x8b: {  	s0 =	sand.u32 $0x1, s1  }
0x8c: {  	s17 =	sshll.u32 s0, $0xA;
	s2 =	sadd.s32 s3, s2  }
0x8d: {  	s2 =	sadd.s32 s2, s17  }
0x8e: {  	[smem:$0x3FBF] =	sst s2  }
0x8f: {  	_ = 	snop  }
0x90: {  	s18 =	sld [smem:$0x3FD0];
	(tm) =	ssettm $0x1  }
0x91: {  	s19 =	sld [smem:$0x3FFB];
	_ =	sdelay $0x3  }
0x92: {  	_ =	strace s19  }
0x93: {  	s2 =	sld [smem:$0x3FFC];
	_ =	sdelay $0x3  }
0x94: {  	_ =	strace s2  }
0x95: {  	s2 =	sld [smem:$0x3FFD];
	_ =	sdelay $0x3  }
0x96: {  	_ =	strace s2  }
0x97: {  	_ =	strace $0x8FFFFFFF  }
0x98: {  	s20 =	sld [smem:$0x3FDB];
	_ =	sdelay $0x1  }
0x99: {  	s4 =	simm.s32 $_scs_section_size  }
0x9a: {  	s5 =	simm.s32 $_size__tile_overlayer_lowered;
	s6 =	simm.s32 $_tile_overlayer_lowered  }
0x9b: {  	s7 =	simm.s32 $0x1BFF;
	s21 =	sshll.u32 s6, $0x1;
	s4 =	sadd.s32 s4, s20  }
0x9c: {  	s22 =	simm.s32 $0x0;
	s5 =	sshll.u32 s5, $0x1;
	s6 =	sadd.s32 s21, s4  }
0x9d: {  	[timem:s22], [sflag:s7] =	dma.local [hbm:s6], s5  }
0x9e: {  	_ =	swait.ge [sflag:s7], s5  }
0x9f: {  	s5 =	ssub.s32 $0x0, s5;
	[sflag:s7] =	ssyncset.done $0x0  }
0xa0: {  	[sflag:s7] =	ssyncadd.s32 s5;
	_ =	sdelay $0x1  }
0xa1: {  	s23 =	simm.s32 $0x1B8B  }
0xa2: {  	_ =	swait.ge [sflag:s23], $0x1  }
0xa3: {  	[sflag:s23] =	ssyncset.done $0x0  }
0xa4: {  	[sflag:s23] =	ssyncadd.s32 $0xFFFFFFFF  }
0xa5: {  	s5 =	sld [smem:$0x0]  }
0xa6: {  	s6 =	sand.u32 $0xFFFFFFFE, s1  }
0xa7: {  	p0 =	sne.s32 s1, s6  }
0xa8: {  	s6 =	sshll.u32 @p0 s6, $0xE  }
0xa9: {  	s6 =	sadd.s32 @p0 $0x11B8D, s6;
	s7 =	sshll.u32 @p0 s5, $0x11  }
0xaa: {  	s6 =	sor.u32 @p0 s7, s6  }
0xab: {  	[sflag:s6] =	ssyncadd.remote.s32 @p0 $0x1;
	_ =	sdelay $0x1  }
0xac: {  	s6 =	simm.s32 @p0 $0x1B8D  }
0xad: {  	_ =	swait.eq @p0 [sflag:s6], $0x1  }
0xae: {  	[sflag:s6] =	ssyncadd.s32 @p0 $0xFFFFFFFF  }
0xaf: {  	s7 =	sshll.u32 @!p0 s1, $0xE  }
0xb0: {  	s7 =	sor.u32 @!p0 $0x4000, s7;
	s6 =	simm.s32 @!p0 $0x1B8D  }
0xb1: {  	s5 =	sshll.u32 @!p0 s5, $0x11;
	s7 =	sadd.s32 @!p0 $0x11B8D, s7;
	_ =	swait.eq @!p0 [sflag:s6], $0x1  }
0xb2: {  	s5 =	sor.u32 @!p0 s5, s7;
	[sflag:s6] =	ssyncadd.s32 @!p0 $0xFFFFFFFF  }
0xb3: {  	s25 =	simm.s32 $0x1B8E;
	s24 =	sld [smem:$0x3FFE];
	[sflag:s5] =	ssyncadd.remote.s32 @!p0 $0x1  }
0xb4: {  	s26 =	simm.s32 $execute0_lowered;
	[smem:$0x3FD2] =	sst s25  }
0xb5: {  	s6 =	sshll.u32 s26, $0x1;
	_ =	strace $0x80000049;
	[dreg:$0x1] =	wrdreg $0xFFFFFFFF  }
0xb6: {  	s28 =	simm.s32 $_size_execute0_lowered;
	s4 =	sadd.s32 s4, s6;
	[dreg:$0x0] =	wrdreg $0x0  }
0xb7: {  	s6 =	sshll.u32 s28, $0x1;
	[dreg:$0x2] =	wrdreg s4  }
0xb8: {  	[dreg:$0x3] =	wrdreg s6  }
0xb9: {  	[dreg:$0x4] =	wrdreg $0xC0  }
0xba: {  	_ =	task [dreg:s22], $0x5FFFF  }
0xbb: {  	[dreg:$0x1] =	wrdreg $0xFFFFFFFF  }
0xbc: {  	[dreg:$0x0] =	wrdreg $0x60  }
0xbd: {  	[dreg:$0x2] =	wrdreg s24  }
0xbe: {  	[dreg:$0x3] =	wrdreg s18  }
0xbf: {  	[dreg:$0x4] =	wrdreg $0x0  }
0xc0: {  	[dreg:$0x5] =	wrdreg $0xA  }
0xc1: {  	_ =	task.clear_ibuf [dreg:s22], $0x6FFFF;
	_ =	strace $0x90000049  }
0xc2: {  	s29 =	simm.s32 $0xA;
	_ =	strace $0x8000004B  }
0xc3: {  	_ =	swait.ge [sflag:s29], $0x1  }
0xc4: {  	[sflag:s29] =	ssyncadd.s32 $0xFFFFFFFF  }
0xc5: {  	_ =	strace $0x9000004B  }
0xc6: {  	_ =	sfence  }
0xc7: {  	s30 =	sld [smem:$0x0];
	_ =	sdelay $0x2  }
0xc8: {  	s31 =	sshll.u32 s1, $0xD;
	s1 =	sshrl.u32 s1, $0x2  }
0xc9: {  	s4 =	sand.u32 $0x4000, s31;
	s1 =	sadd.s32 s1, s30  }
0xca: {  	s0 =	sor.u32 s4, s0;
	s1 =	sshll.u32 s1, $0x11  }
0xcb: {  	s0 =	sor.u32 s1, s0  }
0xcc: {  	s0 =	sadd.s32 $0x8F2B, s0  }
0xcd: {  	[sflag:s0] =	ssyncadd.remote.s32 $0x1  }
0xce: {  	_ =	sfence.sel $0xFFFF  }
0xcf: {  	[dreg:$0x0] =	wrdreg $0xFFFFFFFF;
	(pc) =	sbr.abs _section_cstart, $3  }
0xd0: {  	[dreg:$0x1] =	wrdreg $0xFFFFFFFF  }
0xd1: {  	_ =	task.clear_ibuf [dreg:s22], $0x2FFFF;
	_ =	strace $0x9FFFFFFF  }
0xd2: {  	(tm) =	ssettm $0x7FFFFFFF  }
0xd3: {  	_ =	shalt  }
tec
execute0_lowered:
.L_overlay_start_1:
0x0: {  	(tag) =	ssettag $0x1  }
0x1: {  	s0 =	rddreg [dreg:$0x0]  }
0x2: {  	s1 =	rddreg [dreg:$0x1]  }
0x3: {  	s2 =	rddreg [dreg:$0x2];
	s3 =	simm.s32 $0x0  }
0x4: {  	s4 =	srdreg.scid;
	s13 =	stileid.u32;
	s18 =	simm.s32 $0x5  }
0x5: {  	s19 =	simm.s32 $0x13C00;
	s20 =	simm.s32 $0x13D00;
	s28 =	simm.s32 $0x2  }
0x6: {  	s29 =	simm.s32 $0x0;
	[smem:$0x7FF] =	sst s3;
	s7 =	smul.u32 $0x13C00, s13  }
0x7: {  	s4 =	sand.u32 $0x1, s4;
	s5 =	sadd.s32 $0x67E00, s0;
	s21 =	smul.u32 $0x4F000, s13  }
0x8: {  	s9 =	sadd.s32 $0x16600, s0;
	s24 =	sshll.u32 s13, $0x6;
	s25 =	smul.u32 $0x145000, s13  }
0x9: {  	_ =	strace $0x8000004A;
	s6 =	smul.u32 $0x13C000, s4;
	s8 =	sshll.u32 s4, $0x4  }
0xa: {  	[dreg:$0x4] =	wrdreg s9;
	s10 =	ssub.s32 $0x2, s4;
	s4 =	smul.u32 $0x1450000, s4  }
0xb: {  	s8 =	sor.u32 s13, s8;
	s11 =	sshrl.u32 s10, $0x1;
	s23 =	sshrl.u32 s21, $0x2  }
0xc: {  	s21 =	simm.s32 $0x13C80;
	s6 =	sadd.s32 s7, s6;
	s7 =	smul.u32 $0x3400, s8  }
0xd: {  	s12 =	smul.u32 $0x145000, s8;
	s22 =	ssub.s32 s10, s11;
	s26 =	sadd.s32 s23, s2  }
0xe: {  	s8 =	sor.u32 $0x1C05, s24;
	s4 =	sadd.s32 s25, s4;
	s23 =	simm.s32 $0x3  }
0xf: {  	s24 =	simm.s32 $0x1;
	s25 =	simm.s32 $0x68;
	s6 =	sshrl.u32 s6, $0x3  }
0x10: {  	s31 =	sadd.s32 $0x3400, s4;
	s16 =	sadd.s32 $0x6800, s4;
	s17 =	sshrl.u32 s26, $0x3  }
0x11: {  	s26 =	simm.s32 $0x4;
	s0 =	sadd.s32 s6, s0;
	s30 =	sshrl.u32 s7, $0x3  }
0x12: {  	s12 =	sshrl.u32 s12, $0x3;
	s6 =	smax.u32 s22, $0x1;
	s22 =	simm.s32 $0x17100  }
0x13: {  	s9 =	sadd.s32 s1, s30;
	s0 =	sadd.s32 $0x57BE00, s0;
	[dreg:$0x6] =	wrdreg s6  }
0x14: {  	s10 =	sadd.s32 s5, s12;
	[dreg:$0x5] =	wrdreg s0;
	s0 =	sshrl.u32 s31, $0x3  }
0x15: {  	s13 =	sadd.s32 $0x630, s9;
	s14 =	sadd.s32 $0x28380, s10;
	s0 =	sadd.s32 s0, s5  }
.LBB2_1:
0x16: {  	s4 =	rddreg [dreg:$0x4]  }
0x17: {  	[spmem:s17], [sflag:s8] =	dma.local [hbm:s4], $0x2780  }
0x18: {  	s6 =	simm.s32 $0x0;
	_ =	swait.ge [sflag:s18], $0x2780  }
0x19: {  	s4 =	sand.u32 $0x3C00, s6;
	s6 =	simm.s32 $0x80;
	[sflag:s18] =	ssyncset.done $0x0  }
0x1a: {  	s4 =	sadd.s32 s7, s4;
	s6 =	sand.u32 $0x380, s6;
	[sflag:s18] =	ssyncadd.s32 $0xFFFFD880  }
0x1b: {  	s4 =	sor.u32 s4, s6;
	[bflag:$0x0] =	sbarrier.arrive $0xFFFF  }
0x1c: {  	[tilespmem:s19], [sflag:$0x3] =	stream.linear.gather [hbm4b:s9+s3], $0x80, $0x38;
	[tilespmem:$0x1A500] =	vst v63  }
0x1d: {  	s4 =	sshrl.u32 s4, $0x3  }
0x1e: {  	[tilespmem:s20], [sflag:$0x1] =	stream.linear.gather [hbm4b:s10+s3], $0x3400, $0x38;
	[tilespmem:$0x1A500] =	vst v63  }
0x1f: {  	s4 =	sadd.s32 s1, s4  }
0x20: {  	[tilespmem:s21], [sflag:$0x4] =	stream.linear.gather [hbm4b:s4+s3], $0x80, $0x38;
	[tilespmem:$0x1A500] =	vst v63  }
0x21: {  	_ = 	snop  }
0x22: {  	[tilespmem:s22], [sflag:$0x2] =	stream.linear.gather [hbm4b:s0+s3], $0x3400, $0x38;
	[tilespmem:$0x1A500] =	vst v63  }
0x23: {  	_ =	swait.ge [sflag:s23], $0x80  }
0x24: {  	[sflag:s23] =	ssyncset.done $0x0  }
0x25: {  	[sflag:s23] =	ssyncadd.s32 $0xFFFFFF80  }
0x26: {  	s11 =	simm.s32 $0x100;
	_ =	swait.ge [sflag:s24], $0x3400  }
0x27: {  	s12 =	sand.u32 $0x7C00, s11;
	[sflag:s24] =	ssyncset.done $0x0  }
0x28: {  	s6 =	sadd.s32 s7, s12;
	s4 =	sand.u32 $0x300, s11;
	[sflag:s24] =	ssyncadd.s32 $0xFFFFCC00  }
0x29: {  	[spmem:s2] =	stream.indirect.scatter.add.f32 [tilespmem:s20], [sflag:$0x5], $0x80, s19, s25, $0xb8;
	[tilespmem:$0x1A500] =	vst v63  }
0x2a: {  	s4 =	sor.u32 s4, s6;
	_ =	swait.ge [sflag:s18], $0x3400  }
0x2b: {  	s4 =	sshrl.u32 s4, $0x3;
	[sflag:s18] =	ssyncset.done $0x0  }
0x2c: {  	s15 =	sshrl.u32 s16, $0x3;
	s4 =	sadd.s32 s1, s4;
	[sflag:s18] =	ssyncadd.s32 $0xFFFFCC00  }
0x2d: {  	[tilespmem:s19], [sflag:$0x3] =	stream.linear.gather [hbm4b:s4+s3], $0x80, $0x38;
	[tilespmem:$0x1A500] =	vst v63  }
0x2e: {  	s30 =	simm.s32 $0x200;
	s11 =	sadd.s32 s5, s15  }
0x2f: {  	[tilespmem:s20], [sflag:$0x1] =	stream.linear.gather [hbm4b:s11+s3], $0x3400, $0x38;
	[tilespmem:$0x1A500] =	vst v63  }
0x30: {  	s31 =	sadd.s32 $0x6800, s16;
	s12 =	simm.s32 $0x100;
	_ =	swait.ge [sflag:s26], $0x80  }
0x31: {  	s15 =	simm.s32 $0x180;
	s4 =	sand.u32 $0x3C00, s12;
	[sflag:s26] =	ssyncset.done $0x0  }
0x32: {  	s6 =	sand.u32 $0x380, s15;
	s11 =	sadd.s32 s7, s4;
	[sflag:s26] =	ssyncadd.s32 $0xFFFFFF80  }
0x33: {  	s15 =	smov.u32 s0;
	s6 =	sor.u32 s11, s6;
	_ =	swait.ge [sflag:s28], $0x3400  }
0x34: {  	s4 =	simm.s32 $0x300;
	s6 =	sshrl.u32 s6, $0x3;
	[sflag:s28] =	ssyncset.done $0x0  }
.LBB2_2:
0x35: {  	[sflag:s28] =	ssyncadd.s32 $0xFFFFCC00  }
0x36: {  	s15 =	sadd.s32 $0xD00, s15;
	s12 =	smov.u32 s4;
	s11 =	sadd.s32 $0x100, s4  }
0x37: {  	[spmem:s2] =	stream.indirect.scatter.add.f32 [tilespmem:s22], [sflag:$0x5], $0x80, s21, s25, $0xb8;
	[tilespmem:$0x1A500] =	vst v63  }
0x38: {  	p0 =	sne.s32 s4, $0x3100;
	_ =	swait.ge [sflag:s18], $0x3400  }
0x39: {  	s4 =	sadd.s32 s1, s6;
	[sflag:s18] =	ssyncset.done $0x0  }
0x3a: {  	[sflag:s18] =	ssyncadd.s32 $0xFFFFCC00  }
0x3b: {  	[tilespmem:s21], [sflag:$0x4] =	stream.linear.gather [hbm4b:s4+s3], $0x80, $0x38;
	[tilespmem:$0x1A500] =	vst v63  }
0x3c: {  	_ = 	snop  }
0x3d: {  	[tilespmem:s22], [sflag:$0x2] =	stream.linear.gather [hbm4b:s15+s3], $0x3400, $0x38;
	[tilespmem:$0x1A500] =	vst v63  }
0x3e: {  	_ =	swait.ge [sflag:s23], $0x80  }
0x3f: {  	[sflag:s23] =	ssyncset.done $0x0  }
0x40: {  	[sflag:s23] =	ssyncadd.s32 $0xFFFFFF80  }
0x41: {  	_ =	swait.ge [sflag:s24], $0x3400  }
0x42: {  	s4 =	sand.u32 $0x7C00, s30;
	[sflag:s24] =	ssyncset.done $0x0  }
0x43: {  	s6 =	sand.u32 $0x300, s30;
	s4 =	sadd.s32 s7, s4;
	[sflag:s24] =	ssyncadd.s32 $0xFFFFCC00  }
0x44: {  	[spmem:s2] =	stream.indirect.scatter.add.f32 [tilespmem:s20], [sflag:$0x5], $0x80, s19, s25, $0xb8;
	[tilespmem:$0x1A500] =	vst v63  }
0x45: {  	s30 =	smov.u32 s12;
	s4 =	sor.u32 s6, s4;
	_ =	swait.ge [sflag:s18], $0x3400  }
0x46: {  	s4 =	sshrl.u32 s4, $0x3;
	[sflag:s18] =	ssyncset.done $0x0  }
0x47: {  	s6 =	sshrl.u32 s31, $0x3;
	s4 =	sadd.s32 s1, s4;
	[sflag:s18] =	ssyncadd.s32 $0xFFFFCC00  }
0x48: {  	[tilespmem:s19], [sflag:$0x3] =	stream.linear.gather [hbm4b:s4+s3], $0x80, $0x38;
	[tilespmem:$0x1A500] =	vst v63  }
0x49: {  	s4 =	sadd.s32 s5, s6  }
0x4a: {  	[tilespmem:s20], [sflag:$0x1] =	stream.linear.gather [hbm4b:s4+s3], $0x3400, $0x38;
	[tilespmem:$0x1A500] =	vst v63  }
.Ltmp0:
0x4b: {  	s4 =	sadd.s32 $0xFFFFFF00, s30;
	_ =	swait.ge [sflag:s26], $0x80;
	(pc) =	sbr.rel @p0 .LBB2_2-.Ltmp0, $4  }
0x4c: {  	s6 =	sadd.s32 $0xFFFFFF80, s30;
	s4 =	sand.u32 $0x3C00, s4;
	[sflag:s26] =	ssyncset.done $0x0  }
0x4d: {  	s6 =	sand.u32 $0x380, s6;
	s4 =	sadd.s32 s7, s4;
	[sflag:s26] =	ssyncadd.s32 $0xFFFFFF80  }
0x4e: {  	s31 =	sadd.s32 $0x6800, s31;
	s4 =	sor.u32 s4, s6;
	_ =	swait.ge [sflag:s28], $0x3400  }
0x4f: {  	s6 =	sshrl.u32 s4, $0x3;
	s4 =	smov.u32 s11;
	[sflag:s28] =	ssyncset.done $0x0  }
0x50: {  	[sflag:s28] =	ssyncadd.s32 $0xFFFFCC00  }
0x51: {  	[spmem:s2] =	stream.indirect.scatter.add.f32 [tilespmem:s22], [sflag:$0x5], $0x80, s21, s25, $0xb8;
	[tilespmem:$0x1A500] =	vst v63  }
0x52: {  	_ =	swait.ge [sflag:s18], $0x3400  }
0x53: {  	[sflag:s18] =	ssyncset.done $0x0  }
0x54: {  	s4 =	sadd.s32 s1, s6;
	[sflag:s18] =	ssyncadd.s32 $0xFFFFCC00  }
0x55: {  	[tilespmem:s21], [sflag:$0x4] =	stream.linear.gather [hbm4b:s4+s3], $0x80, $0x38;
	[tilespmem:$0x1A500] =	vst v63  }
0x56: {  	s15 =	sadd.s32 $0xD00, s15  }
0x57: {  	[tilespmem:s22], [sflag:$0x2] =	stream.linear.gather [hbm4b:s15+s3], $0x3400, $0x38;
	[tilespmem:$0x1A500] =	vst v63  }
0x58: {  	_ =	swait.ge [sflag:s23], $0x80  }
0x59: {  	[sflag:s23] =	ssyncset.done $0x0  }
0x5a: {  	[sflag:s23] =	ssyncadd.s32 $0xFFFFFF80  }
0x5b: {  	_ =	swait.ge [sflag:s24], $0x3400  }
0x5c: {  	s6 =	sand.u32 $0x7C00, s30;
	[sflag:s24] =	ssyncset.done $0x0  }
0x5d: {  	s11 =	sand.u32 $0x300, s30;
	s4 =	sadd.s32 s7, s6;
	[sflag:s24] =	ssyncadd.s32 $0xFFFFCC00  }
0x5e: {  	[spmem:s2] =	stream.indirect.scatter.add.f32 [tilespmem:s20], [sflag:$0x5], $0x80, s19, s25, $0xb8;
	[tilespmem:$0x1A500] =	vst v63  }
0x5f: {  	s4 =	sor.u32 s11, s4;
	_ =	swait.ge [sflag:s18], $0x3400  }
0x60: {  	s4 =	sshrl.u32 s4, $0x3;
	[sflag:s18] =	ssyncset.done $0x0  }
0x61: {  	s12 =	sshrl.u32 s31, $0x3;
	s4 =	sadd.s32 s1, s4;
	[sflag:s18] =	ssyncadd.s32 $0xFFFFCC00  }
0x62: {  	[tilespmem:s19], [sflag:$0x3] =	stream.linear.gather [hbm4b:s4+s3], $0x80, $0x38;
	[tilespmem:$0x1A500] =	vst v63  }
0x63: {  	s15 =	sadd.s32 s5, s12  }
0x64: {  	[tilespmem:s20], [sflag:$0x1] =	stream.linear.gather [hbm4b:s15+s3], $0x3400, $0x38;
	[tilespmem:$0x1A500] =	vst v63  }
0x65: {  	_ =	swait.ge [sflag:s26], $0x80  }
0x66: {  	[sflag:s26] =	ssyncset.done $0x0  }
0x67: {  	[sflag:s26] =	ssyncadd.s32 $0xFFFFFF80  }
0x68: {  	_ =	swait.ge [sflag:s28], $0x3400  }
0x69: {  	[sflag:s28] =	ssyncset.done $0x0  }
0x6a: {  	[sflag:s28] =	ssyncadd.s32 $0xFFFFCC00  }
0x6b: {  	[spmem:s2] =	stream.indirect.scatter.add.f32 [tilespmem:s22], [sflag:$0x5], $0x80, s21, s25, $0xb8;
	[tilespmem:$0x1A500] =	vst v63  }
0x6c: {  	_ =	swait.ge [sflag:s18], $0x3400  }
0x6d: {  	[sflag:s18] =	ssyncset.done $0x0  }
0x6e: {  	[sflag:s18] =	ssyncadd.s32 $0xFFFFCC00  }
0x6f: {  	[tilespmem:s21], [sflag:$0x4] =	stream.linear.gather [hbm4b:s13+s3], $0x80, $0x38;
	[tilespmem:$0x1A500] =	vst v63  }
0x70: {  	_ = 	snop  }
0x71: {  	[tilespmem:s22], [sflag:$0x2] =	stream.linear.gather [hbm4b:s14+s3], $0x3400, $0x38;
	[tilespmem:$0x1A500] =	vst v63  }
0x72: {  	_ =	swait.ge [sflag:s23], $0x80  }
0x73: {  	[sflag:s23] =	ssyncset.done $0x0  }
0x74: {  	[sflag:s23] =	ssyncadd.s32 $0xFFFFFF80  }
0x75: {  	_ =	swait.ge [sflag:s24], $0x3400  }
0x76: {  	[sflag:s24] =	ssyncset.done $0x0  }
0x77: {  	[sflag:s24] =	ssyncadd.s32 $0xFFFFCC00  }
0x78: {  	[spmem:s2] =	stream.indirect.scatter.add.f32 [tilespmem:s20], [sflag:$0x5], $0x80, s19, s25, $0xb8;
	[tilespmem:$0x1A500] =	vst v63  }
0x79: {  	_ =	swait.ge [sflag:s18], $0x3400  }
0x7a: {  	[sflag:s18] =	ssyncset.done $0x0  }
0x7b: {  	[sflag:s18] =	ssyncadd.s32 $0xFFFFCC00  }
0x7c: {  	_ =	swait.ge [sflag:s26], $0x80  }
0x7d: {  	[sflag:s26] =	ssyncset.done $0x0  }
0x7e: {  	[sflag:s26] =	ssyncadd.s32 $0xFFFFFF80  }
0x7f: {  	_ =	swait.ge [sflag:s28], $0x3400  }
0x80: {  	[sflag:s28] =	ssyncset.done $0x0  }
0x81: {  	[sflag:s28] =	ssyncadd.s32 $0xFFFFCC00  }
0x82: {  	[spmem:s2] =	stream.indirect.scatter.add.f32 [tilespmem:s22], [sflag:$0x5], $0x80, s21, s25, $0xb8;
	[tilespmem:$0x1A500] =	vst v63  }
0x83: {  	_ =	swait.ge [sflag:s18], $0x3400  }
0x84: {  	[sflag:s18] =	ssyncset.done $0x0  }
0x85: {  	[sflag:s18] =	ssyncadd.s32 $0xFFFFCC00  }
0x86: {  	[bflag:$0x0] =	sbarrier.arrive $0xFFFF  }
0x87: {  	s30 =	rddreg [dreg:$0x5]  }
0x88: {  	[hbm:s30], [sflag:s8] =	dma.local [spmem:s17], $0x2780  }
0x89: {  	_ =	swait.ge [sflag:s18], $0x2780  }
0x8a: {  	s29 =	sadd.s32 $0x1, s29;
	s31 =	rddreg [dreg:$0x6]  }
0x8b: {  	p0 =	sne.s32 s29, s31  }
.Ltmp1:
0x8c: {  	_ = 	snop;
	(pc) =	sbr.rel @p0 .LBB2_1-.Ltmp1, $3  }
0x8d: {  	_ =	sdelay $0x1  }
0x8e: {  	[sflag:s18] =	ssyncset.done $0x0  }
0x8f: {  	[sflag:s18] =	ssyncadd.s32 $0xFFFFD880  }
0x90: {  	_ =	sfence.sel $0x180000  }
0x91: {  	[bflag:$0x0] =	sbarrier.arrive $0xFFFF  }
0x92: {  	_ =	strace $0x9000004A  }
0x93: {  	s0 =	stileid.u32;
	[bflag:$0x2] =	sbarrier.arrive $0xFFFF  }
0x94: {  	p0 =	sne.s32 s0, $0x0;
	s0 =	rddreg [dreg:$0x3]  }
0x95: {  	s0 =	sadd.s32 @!p0 $0x100000, s0  }
0x96: {  	[sflag:s0] =	ssyncadd.tile.s32 @!p0 $0x1;
	_ =	shalt  }
.Lfunc_end2:
_tile_overlayer_lowered:
.L_overlay_start_2:
0x97: {  	(tag) =	ssettag $0x2  }
0x98: {  	s0 =	rddreg [dreg:$0x0];
	s2 =	stileid.u32  }
0x99: {  	s1 =	rddreg [dreg:$0x1];
	p0 =	sne.s32 s2, $0x0  }
0x9a: {  	s3 =	rddreg [dreg:$0x2];
	[bflag:$0x3] =	sbarrier.arrive $0xFFFF;
	s2 =	simm.s32 @!p0 $0x1C05  }
0x9b: {  	[timem:s3], [sflag:s2] =	dma.local @!p0 [hbm:s0], s1  }
0x9c: {  	s0 =	simm.s32 @!p0 $0x5  }
0x9d: {  	_ =	swait.ge @!p0 [sflag:s0], s1  }
0x9e: {  	s1 =	ssub.s32 @!p0 $0x0, s1;
	[sflag:s0] =	ssyncset.done @!p0 $0x0  }
0x9f: {  	[sflag:s0] =	ssyncadd.s32 @!p0 s1  }
0xa0: {  	[bflag:$0x3] =	sbarrier.arrive $0xFFFF  }
0xa1: {  	_ =	shalt  }

</sc_bundles>
